<compile_context>
chip_gen: v7x
topology: tpu7x:2x2x1
jax: 0.10.2.dev20260603
libtpu: 0.0.44.dev20260713+nightly
codegen_flags: <defaults>
</compile_context>

<pallas_src>
import jax
import jax.numpy as jnp
import numpy as np
from jax import lax
from jax.experimental import pallas as pl
from jax.experimental.pallas import tpu as pltpu
from jax.experimental.pallas import tpu_sc as plsc

TOPK = 50
NROWS = 128
NCOLS = 32768
LANES = 16
NWORKERS = 32
ROWS_PER_W = NROWS // NWORKERS
CHUNKS = NCOLS // LANES
SGV = 16
NSG = CHUNKS // SGV
CAPV = 120
NUM_CORES = 2
NUM_SUBCORES = 16


def _body(x_hbm, o_hbm, in_v, srt, srtf, bval, champ, tvalb):
    wid = lax.axis_index("s") * NUM_CORES + lax.axis_index("c")
    lane = lax.iota(jnp.int32, LANES)
    onev = lane * 0 + 1
    zerov = lane * 0
    zerof = jnp.zeros((LANES,), jnp.float32)
    onef = zerof + 1.0
    neginf = zerof - jnp.inf

    srt[pl.ds(0, LANES)] = zerov
    srt[pl.ds(32, LANES)] = zerov
    srtf[pl.ds(0, LANES)] = zerof
    srtf[pl.ds(32, LANES)] = zerof

    def scan_incl(x):
        acc = x
        for k in (1, 2, 4, 8):
            srt[pl.ds(16, LANES)] = acc
            acc = acc + srt[pl.ds(16 - k, LANES)]
        return acc

    def total_scalar(x):
        srt[pl.ds(16, LANES)] = scan_incl(x)
        return srt[pl.ds(16, LANES)][15]

    def max_scalar(x):
        acc = x
        for k in (1, 2, 4, 8):
            srtf[pl.ds(16, LANES)] = acc
            sh = srtf[pl.ds(16 - k, LANES)]
            acc = jnp.maximum(acc, jnp.where(lane >= k, sh, neginf))
        srtf[pl.ds(16, LANES)] = acc
        return srtf[pl.ds(16, LANES)][15]

    def min_scalar(x):
        acc = x
        for k in (1, 2, 4, 8):
            srtf[pl.ds(16, LANES)] = acc
            sh = srtf[pl.ds(16 - k, LANES)]
            acc = jnp.minimum(acc, jnp.where(lane >= k, sh, -neginf))
        srtf[pl.ds(16, LANES)] = acc
        return srtf[pl.ds(16, LANES)][15]

    def cur_tval():
        return tvalb[pl.ds(0, LANES)]

    def row_body(rr, _):
        row = wid * ROWS_PER_W + rr
        pltpu.sync_copy(x_hbm.at[row], in_v)
        tvalb[pl.ds(0, LANES)] = neginf

        def rebuild(ncv):
            for g in range(4):
                champ[pl.ds(g * LANES, LANES)] = neginf

            def chbody(j, _c):
                g = lax.rem(j, 4)
                sl = pl.ds(g * LANES, LANES)
                champ[sl] = jnp.maximum(champ[sl], bval[pl.ds(j * LANES,
                                                              LANES)])
                return _c

            lax.fori_loop(0, ncv, chbody, 0)
            cmin = champ[pl.ds(0, LANES)]
            for g in range(1, 4):
                cmin = jnp.minimum(cmin, champ[pl.ds(g * LANES, LANES)])
            tnew = min_scalar(cmin)
            tv = jnp.maximum(cur_tval(), tnew * onef)
            tvalb[pl.ds(0, LANES)] = tv

            def cpbody(j, nkeep):
                vj = bval[pl.ds(j * LANES, LANES)]
                m = vj >= tv
                s = total_scalar(jnp.where(m, onev, zerov))

                def keep(nk):
                    bval[pl.ds(nk * LANES, LANES)] = vj
                    return nk + 1

                return lax.cond(s > 0, keep, lambda nk: nk, nkeep)

            return lax.fori_loop(0, ncv, cpbody, jnp.int32(0))

        def sg_body(sg, ncv):
            base = sg * (SGV * LANES)
            t_vec = cur_tval()
            anym = None
            for q in range(SGV):
                v = in_v[pl.ds(base + q * LANES, LANES)]
                m = v >= t_vec
                anym = m if anym is None else (anym | m)
            s = total_scalar(jnp.where(anym, onev, zerov))

            def hit(op):
                def qbody(q, ncv2):
                    qb = base + q * LANES
                    v = in_v[pl.ds(qb, LANES)]
                    m2 = v >= cur_tval()
                    s2 = total_scalar(jnp.where(m2, onev, zerov))

                    def append(nc3):
                        bval[pl.ds(nc3 * LANES, LANES)] = v
                        nc4 = nc3 + 1
                        return lax.cond(nc4 >= CAPV, rebuild,
                                        lambda n: n, nc4)

                    return lax.cond(s2 > 0, append, lambda n: n, ncv2)

                return lax.fori_loop(0, SGV, qbody, op)

            return lax.cond(s > 0, hit, lambda op: op, ncv)

        ncv = lax.fori_loop(0, NSG, sg_body, jnp.int32(0))
        ncv = rebuild(ncv)

        def count_eq(p_splat):
            def cbody(j, acc):
                vj = bval[pl.ds(j * LANES, LANES)]
                return acc + jnp.where(vj == p_splat, onev, zerov)
            accv = lax.fori_loop(0, ncv, cbody, zerov)
            return total_scalar(accv)

        def ext_round(_i, carry):
            whi, cnt, ng, tstar = carry

            def work(op):
                whi2, cnt2, ng2, _ts = op
                wv = whi2 * onef

                def mbody(j, acc):
                    vj = bval[pl.ds(j * LANES, LANES)]
                    return jnp.maximum(acc, jnp.where(vj < wv, vj, neginf))

                mv = lax.fori_loop(0, ncv, mbody, neginf)
                m = max_scalar(mv)
                ce = count_eq(m * onef)
                return m, cnt2 + ce, cnt2, m

            def skip(op):
                return op

            return lax.cond(cnt < TOPK, work, skip, (whi, cnt, ng, tstar))

        big = jnp.float32(jnp.inf)
        _, cnt_f, ng_f, tstar = lax.fori_loop(
            0, TOPK, ext_round, (big, jnp.int32(0), jnp.int32(0), big))
        r = TOPK - ng_f
        tval_v = tstar * onef

        def mask_sg(sg, bcarry):
            base = sg * (SGV * LANES)
            eqany = None
            for q in range(SGV):
                v = in_v[pl.ds(base + q * LANES, LANES)]
                eq = v == tval_v
                eqany = eq if eqany is None else (eqany | eq)
            se = total_scalar(jnp.where(eqany, onev, zerov))

            def simple(b):
                for q in range(SGV):
                    sl = pl.ds(base + q * LANES, LANES)
                    v = in_v[sl]
                    in_v[sl] = jnp.where(v > tval_v, v, zerof)
                return b

            def with_ties(b):
                def qbody(q, b2):
                    sl = pl.ds(base + q * LANES, LANES)
                    v = in_v[sl]
                    gt = v > tval_v
                    eq = v == tval_v
                    eqc = jnp.where(eq, onev, zerov)
                    excl = scan_incl(eqc) - eqc
                    keep = gt | (eq & ((excl + b2 * onev) < r * onev))
                    in_v[sl] = jnp.where(keep, v, zerof)
                    return b2 + total_scalar(eqc)

                return lax.fori_loop(0, SGV, qbody, b)

            return lax.cond(se > 0, with_ties, simple, bcarry)

        lax.fori_loop(0, NSG, mask_sg, jnp.int32(0))
        pltpu.sync_copy(in_v, o_hbm.at[row])
        return 0

    lax.fori_loop(0, ROWS_PER_W, row_body, 0)


def make_kernel(interpret=False):
    return pl.kernel(
        _body,
        out_type=jax.ShapeDtypeStruct((NROWS, NCOLS), jnp.float32),
        mesh=plsc.VectorSubcoreMesh(
            core_axis_name="c", subcore_axis_name="s",
            num_cores=NUM_CORES, num_subcores=NUM_SUBCORES),
        scratch_types=[
            pltpu.VMEM((NCOLS,), jnp.float32),
            pltpu.VMEM((48,), jnp.int32),
            pltpu.VMEM((48,), jnp.float32),
            pltpu.VMEM((NCOLS,), jnp.float32),
            pltpu.VMEM((4 * LANES,), jnp.float32),
            pltpu.VMEM((LANES,), jnp.float32),
        ],
        interpret=interpret,
    )


_topk_mask_sc = make_kernel()


def kernel(x):
    return _topk_mask_sc(x)

# --- scband reference (transcript-rebuilt; emitter-appended) ---
"""Pipeline reference for scband-top-k-36283883717311 (READ-ONLY COPY).

The authoritative reference and input builder live on the scoring server;
editing this copy changes nothing except your own understanding.
"""

import jax, jax.numpy as jnp
import numpy as np

K = 50

def setup_inputs(seed: int = 0) -> dict:
    key = jax.random.key(seed)
    x = jax.random.normal(key, (128, 32768), dtype=jnp.float32)
    return {"x": x}

def reference(x):
    # TopK masking: keep the top-k values per row, zero out everything else.
    vals, idx = jax.lax.top_k(x, K)
    rows = jnp.arange(x.shape[0])[:, None]
    out = jnp.zeros_like(x).at[rows, idx].set(vals)
    return out

if __name__ == "__main__":
    import jax
    _d = setup_inputs()
    print(jax.jit(kernel)(*tuple(_d.values())))

</pallas_src>

<mosaic_0001>
#map = affine_map<(d0, d1) -> (0, 0)>
module attributes {stable_mosaic.version = 14 : i64} {
  func.func @_body(%arg0: i32, %arg1: i32, %arg2: memref<128x32768xf32, #tpu.memory_space<hbm>>, %arg3: memref<128x32768xf32, #tpu.memory_space<hbm>>, %arg4: memref<32768xf32, #tpu.memory_space<vmem>>, %arg5: memref<48xi32, #tpu.memory_space<vmem>>, %arg6: memref<48xf32, #tpu.memory_space<vmem>>, %arg7: memref<32768xf32, #tpu.memory_space<vmem>>, %arg8: memref<64xf32, #tpu.memory_space<vmem>>, %arg9: memref<16xf32, #tpu.memory_space<vmem>>) attributes {dimension_semantics = [#tpu.dimension_semantics<core_parallel>, #tpu.dimension_semantics<subcore_parallel>], iteration_bounds = array<i64: 2, 16>, scalar_prefetch = 0 : i64, scratch_operands = 6 : i64, tpu.core_type = #tpu.core_type<sc_vector_subcore>, window_params = [{transform_indices = #map}, {transform_indices = #map}]} {
    %mul3A = arith.constant 2 : i32
    %mul3A_0 = arith.muli %arg1, %mul3A : i32
    %add3A = arith.addi %mul3A_0, %arg0 : i32
    %iota3A = tpu.iota {dimensions = array<i32: 0>} : vector<16xi32>
    %mul3A_1 = arith.constant 0 : i32
    %mul3A_2 = vector.broadcast %mul3A_1 : i32 to vector<16xi32>
    %mul3A_3 = arith.muli %iota3A, %mul3A_2 : vector<16xi32>
    %add3A_4 = arith.constant 1 : i32
    %add3A_5 = vector.broadcast %add3A_4 : i32 to vector<16xi32>
    %add3A_6 = arith.addi %mul3A_3, %add3A_5 : vector<16xi32>
    %mul3A_7 = arith.constant 0 : i32
    %mul3A_8 = vector.broadcast %mul3A_7 : i32 to vector<16xi32>
    %mul3A_9 = arith.muli %iota3A, %mul3A_8 : vector<16xi32>
    %broadcast_in_dim3A = arith.constant 0.000000e+00 : f32
    %broadcast_in_dim3A_10 = vector.broadcast %broadcast_in_dim3A : f32 to vector<16xf32>
    %add3A_11 = arith.constant 1.000000e+00 : f32
    %add3A_12 = vector.broadcast %add3A_11 : f32 to vector<16xf32>
    %add3A_13 = arith.addf %broadcast_in_dim3A_10, %add3A_12 : vector<16xf32>
    %sub3A = arith.constant 0x7F800000 : f32
    %sub3A_14 = vector.broadcast %sub3A : f32 to vector<16xf32>
    %sub3A_15 = arith.subf %broadcast_in_dim3A_10, %sub3A_14 : vector<16xf32>
    %swap3A = arith.constant 0 : index
    %swap3A_16 = tpu.vector_load %arg5[%swap3A] {strides = array<i32>} : memref<48xi32, #tpu.memory_space<vmem>>, vector<16xi32>,
    %swap3A_17 = vector.shape_cast %swap3A_16 : vector<16xi32> to vector<16xi32>
    %swap3A_18 = vector.shape_cast %mul3A_9 : vector<16xi32> to vector<16xi32>
    tpu.vector_store %arg5[%swap3A], %swap3A_18 {strides = array<i32>} : memref<48xi32, #tpu.memory_space<vmem>>, vector<16xi32>,
    %swap3A_19 = arith.constant 32 : index
    %swap3A_20 = tpu.vector_load %arg5[%swap3A_19] {strides = array<i32>} : memref<48xi32, #tpu.memory_space<vmem>>, vector<16xi32>,
    %swap3A_21 = vector.shape_cast %swap3A_20 : vector<16xi32> to vector<16xi32>
    %swap3A_22 = vector.shape_cast %mul3A_9 : vector<16xi32> to vector<16xi32>
    tpu.vector_store %arg5[%swap3A_19], %swap3A_22 {strides = array<i32>} : memref<48xi32, #tpu.memory_space<vmem>>, vector<16xi32>,
    %swap3A_23 = arith.constant 0 : index
    %swap3A_24 = tpu.vector_load %arg6[%swap3A_23] {strides = array<i32>} : memref<48xf32, #tpu.memory_space<vmem>>, vector<16xf32>,
    %swap3A_25 = vector.shape_cast %swap3A_24 : vector<16xf32> to vector<16xf32>
    %swap3A_26 = vector.shape_cast %broadcast_in_dim3A_10 : vector<16xf32> to vector<16xf32>
    tpu.vector_store %arg6[%swap3A_23], %swap3A_26 {strides = array<i32>} : memref<48xf32, #tpu.memory_space<vmem>>, vector<16xf32>,
    %swap3A_27 = arith.constant 32 : index
    %swap3A_28 = tpu.vector_load %arg6[%swap3A_27] {strides = array<i32>} : memref<48xf32, #tpu.memory_space<vmem>>, vector<16xf32>,
    %swap3A_29 = vector.shape_cast %swap3A_28 : vector<16xf32> to vector<16xf32>
    %swap3A_30 = vector.shape_cast %broadcast_in_dim3A_10 : vector<16xf32> to vector<16xf32>
    tpu.vector_store %arg6[%swap3A_27], %swap3A_30 {strides = array<i32>} : memref<48xf32, #tpu.memory_space<vmem>>, vector<16xf32>,
    %scan3A = arith.constant 0 : i32
    %scan3A_31 = arith.constant 0 : i32
    %scan3A_32 = arith.constant 4 : i32
    %scan3A_33 = arith.addi %scan3A_31, %scan3A_32 : i32
    %scan3A_34 = arith.constant 1 : i32
    %scan3A_35 = scf.for %scan3A_37 = %scan3A_31 to %scan3A_33 step %scan3A_34 iter_args(%scan3A_38 = %scan3A) -> (i32)  : i32 {
      %mul3A_39 = arith.constant 4 : i32
      %mul3A_40 = arith.muli %add3A, %mul3A_39 : i32
      %add3A_41 = arith.addi %mul3A_40, %scan3A_37 : i32
      "tpu.region"() ({
        %run_scoped3A = tpu.sem_alloc : memref<!tpu.dma_semaphore, #tpu.memory_space<semaphore_mem>>
        %dma_start3A = arith.constant 0 : i32
        %dma_start3A_198 = tpu.memref_slice %arg2[%add3A_41, %dma_start3A] : memref<128x32768xf32, #tpu.memory_space<hbm>> -> memref<1x32768xf32, #tpu.memory_space<hbm>>
        %dma_start3A_199 = tpu.memref_squeeze %dma_start3A_198 : memref<1x32768xf32, #tpu.memory_space<hbm>> -> memref<32768xf32, #tpu.memory_space<hbm>>
        %dma_start3A_200 = arith.constant 0 : i32
        %dma_start3A_201 = tpu.memref_slice %arg2[%add3A_41, %dma_start3A_200] : memref<128x32768xf32, #tpu.memory_space<hbm>> -> memref<1x32768xf32, #tpu.memory_space<hbm>>
        %dma_start3A_202 = tpu.memref_squeeze %dma_start3A_201 : memref<1x32768xf32, #tpu.memory_space<hbm>> -> memref<32768xf32, #tpu.memory_space<hbm>>
        tpu.enqueue_dma source(%dma_start3A_202 : memref<32768xf32, #tpu.memory_space<hbm>>) target(%arg4 : memref<32768xf32, #tpu.memory_space<vmem>>) target_semaphore(%run_scoped3A : memref<!tpu.dma_semaphore, #tpu.memory_space<semaphore_mem>>)
        %dma_wait3A = arith.constant 0 : i32
        %dma_wait3A_203 = tpu.memref_slice %arg2[%add3A_41, %dma_wait3A] : memref<128x32768xf32, #tpu.memory_space<hbm>> -> memref<1x32768xf32, #tpu.memory_space<hbm>>
        %dma_wait3A_204 = tpu.memref_squeeze %dma_wait3A_203 : memref<1x32768xf32, #tpu.memory_space<hbm>> -> memref<32768xf32, #tpu.memory_space<hbm>>
        %dma_wait3A_205 = arith.constant 0 : i32
        %dma_wait3A_206 = tpu.memref_slice %arg2[%add3A_41, %dma_wait3A_205] : memref<128x32768xf32, #tpu.memory_space<hbm>> -> memref<1x32768xf32, #tpu.memory_space<hbm>>
        %dma_wait3A_207 = tpu.memref_squeeze %dma_wait3A_206 : memref<1x32768xf32, #tpu.memory_space<hbm>> -> memref<32768xf32, #tpu.memory_space<hbm>>
        tpu.wait_dma2 semaphore(%run_scoped3A : memref<!tpu.dma_semaphore, #tpu.memory_space<semaphore_mem>>) src(%dma_wait3A_207 : memref<32768xf32, #tpu.memory_space<hbm>>) dst(%arg4 : memref<32768xf32, #tpu.memory_space<vmem>>)
        tpu.yield
      }) : () -> ()
      %swap3A_42 = arith.constant 0 : index
      %swap3A_43 = tpu.vector_load %arg9[%swap3A_42] {strides = array<i32>} : memref<16xf32, #tpu.memory_space<vmem>>, vector<16xf32>,
      %swap3A_44 = vector.shape_cast %swap3A_43 : vector<16xf32> to vector<16xf32>
      %swap3A_45 = vector.shape_cast %sub3A_15 : vector<16xf32> to vector<16xf32>
      tpu.vector_store %arg9[%swap3A_42], %swap3A_45 {strides = array<i32>} : memref<16xf32, #tpu.memory_space<vmem>>, vector<16xf32>,
      %scan3A_46 = arith.constant 0 : i32
      %scan3A_47 = arith.constant 0 : i32
      %scan3A_48 = arith.constant 128 : i32
      %scan3A_49 = arith.addi %scan3A_47, %scan3A_48 : i32
      %scan3A_50 = arith.constant 1 : i32
      %scan3A_51 = scf.for %scan3A_198 = %scan3A_47 to %scan3A_49 step %scan3A_50 iter_args(%scan3A_199 = %scan3A_46) -> (i32)  : i32 {
        %mul3A_200 = arith.constant 256 : i32
        %mul3A_201 = arith.muli %scan3A_198, %mul3A_200 : i32
        %get3A_202 = arith.constant 0 : index
        %get3A_203 = tpu.vector_load %arg9[%get3A_202] {strides = array<i32>} : memref<16xf32, #tpu.memory_space<vmem>>, vector<16xf32>,
        %get3A_204 = vector.shape_cast %get3A_203 : vector<16xf32> to vector<16xf32>
        %add3A_205 = arith.constant 0 : i32
        %add3A_206 = arith.addi %mul3A_201, %add3A_205 : i32
        %get3A_207 = arith.index_cast %add3A_206 : i32 to index
        %get3A_208 = tpu.vector_load %arg4[%get3A_207] {strides = array<i32>} : memref<32768xf32, #tpu.memory_space<vmem>>, vector<16xf32>,
        %get3A_209 = vector.shape_cast %get3A_208 : vector<16xf32> to vector<16xf32>
        %ge3A_210 = arith.cmpf oge, %get3A_209, %get3A_204 : vector<16xf32>
        %add3A_211 = arith.constant 16 : i32
        %add3A_212 = arith.addi %mul3A_201, %add3A_211 : i32
        %get3A_213 = arith.index_cast %add3A_212 : i32 to index
        %get3A_214 = tpu.vector_load %arg4[%get3A_213] {strides = array<i32>} : memref<32768xf32, #tpu.memory_space<vmem>>, vector<16xf32>,
        %get3A_215 = vector.shape_cast %get3A_214 : vector<16xf32> to vector<16xf32>
        %ge3A_216 = arith.cmpf oge, %get3A_215, %get3A_204 : vector<16xf32>
        %or3A = arith.ori %ge3A_210, %ge3A_216 : vector<16xi1>
        %add3A_217 = arith.constant 32 : i32
        %add3A_218 = arith.addi %mul3A_201, %add3A_217 : i32
        %get3A_219 = arith.index_cast %add3A_218 : i32 to index
        %get3A_220 = tpu.vector_load %arg4[%get3A_219] {strides = array<i32>} : memref<32768xf32, #tpu.memory_space<vmem>>, vector<16xf32>,
        %get3A_221 = vector.shape_cast %get3A_220 : vector<16xf32> to vector<16xf32>
        %ge3A_222 = arith.cmpf oge, %get3A_221, %get3A_204 : vector<16xf32>
        %or3A_223 = arith.ori %or3A, %ge3A_222 : vector<16xi1>
        %add3A_224 = arith.constant 48 : i32
        %add3A_225 = arith.addi %mul3A_201, %add3A_224 : i32
        %get3A_226 = arith.index_cast %add3A_225 : i32 to index
        %get3A_227 = tpu.vector_load %arg4[%get3A_226] {strides = array<i32>} : memref<32768xf32, #tpu.memory_space<vmem>>, vector<16xf32>,
        %get3A_228 = vector.shape_cast %get3A_227 : vector<16xf32> to vector<16xf32>
        %ge3A_229 = arith.cmpf oge, %get3A_228, %get3A_204 : vector<16xf32>
        %or3A_230 = arith.ori %or3A_223, %ge3A_229 : vector<16xi1>
        %add3A_231 = arith.constant 64 : i32
        %add3A_232 = arith.addi %mul3A_201, %add3A_231 : i32
        %get3A_233 = arith.index_cast %add3A_232 : i32 to index
        %get3A_234 = tpu.vector_load %arg4[%get3A_233] {strides = array<i32>} : memref<32768xf32, #tpu.memory_space<vmem>>, vector<16xf32>,
        %get3A_235 = vector.shape_cast %get3A_234 : vector<16xf32> to vector<16xf32>
        %ge3A_236 = arith.cmpf oge, %get3A_235, %get3A_204 : vector<16xf32>
        %or3A_237 = arith.ori %or3A_230, %ge3A_236 : vector<16xi1>
        %add3A_238 = arith.constant 80 : i32
        %add3A_239 = arith.addi %mul3A_201, %add3A_238 : i32
        %get3A_240 = arith.index_cast %add3A_239 : i32 to index
        %get3A_241 = tpu.vector_load %arg4[%get3A_240] {strides = array<i32>} : memref<32768xf32, #tpu.memory_space<vmem>>, vector<16xf32>,
        %get3A_242 = vector.shape_cast %get3A_241 : vector<16xf32> to vector<16xf32>
        %ge3A_243 = arith.cmpf oge, %get3A_242, %get3A_204 : vector<16xf32>
        %or3A_244 = arith.ori %or3A_237, %ge3A_243 : vector<16xi1>
        %add3A_245 = arith.constant 96 : i32
        %add3A_246 = arith.addi %mul3A_201, %add3A_245 : i32
        %get3A_247 = arith.index_cast %add3A_246 : i32 to index
        %get3A_248 = tpu.vector_load %arg4[%get3A_247] {strides = array<i32>} : memref<32768xf32, #tpu.memory_space<vmem>>, vector<16xf32>,
        %get3A_249 = vector.shape_cast %get3A_248 : vector<16xf32> to vector<16xf32>
        %ge3A_250 = arith.cmpf oge, %get3A_249, %get3A_204 : vector<16xf32>
        %or3A_251 = arith.ori %or3A_244, %ge3A_250 : vector<16xi1>
        %add3A_252 = arith.constant 112 : i32
        %add3A_253 = arith.addi %mul3A_201, %add3A_252 : i32
        %get3A_254 = arith.index_cast %add3A_253 : i32 to index
        %get3A_255 = tpu.vector_load %arg4[%get3A_254] {strides = array<i32>} : memref<32768xf32, #tpu.memory_space<vmem>>, vector<16xf32>,
        %get3A_256 = vector.shape_cast %get3A_255 : vector<16xf32> to vector<16xf32>
        %ge3A_257 = arith.cmpf oge, %get3A_256, %get3A_204 : vector<16xf32>
        %or3A_258 = arith.ori %or3A_251, %ge3A_257 : vector<16xi1>
        %add3A_259 = arith.constant 128 : i32
        %add3A_260 = arith.addi %mul3A_201, %add3A_259 : i32
        %get3A_261 = arith.index_cast %add3A_260 : i32 to index
        %get3A_262 = tpu.vector_load %arg4[%get3A_261] {strides = array<i32>} : memref<32768xf32, #tpu.memory_space<vmem>>, vector<16xf32>,
        %get3A_263 = vector.shape_cast %get3A_262 : vector<16xf32> to vector<16xf32>
        %ge3A_264 = arith.cmpf oge, %get3A_263, %get3A_204 : vector<16xf32>
        %or3A_265 = arith.ori %or3A_258, %ge3A_264 : vector<16xi1>
        %add3A_266 = arith.constant 144 : i32
        %add3A_267 = arith.addi %mul3A_201, %add3A_266 : i32
        %get3A_268 = arith.index_cast %add3A_267 : i32 to index
        %get3A_269 = tpu.vector_load %arg4[%get3A_268] {strides = array<i32>} : memref<32768xf32, #tpu.memory_space<vmem>>, vector<16xf32>,
        %get3A_270 = vector.shape_cast %get3A_269 : vector<16xf32> to vector<16xf32>
        %ge3A_271 = arith.cmpf oge, %get3A_270, %get3A_204 : vector<16xf32>
        %or3A_272 = arith.ori %or3A_265, %ge3A_271 : vector<16xi1>
        %add3A_273 = arith.constant 160 : i32
        %add3A_274 = arith.addi %mul3A_201, %add3A_273 : i32
        %get3A_275 = arith.index_cast %add3A_274 : i32 to index
        %get3A_276 = tpu.vector_load %arg4[%get3A_275] {strides = array<i32>} : memref<32768xf32, #tpu.memory_space<vmem>>, vector<16xf32>,
        %get3A_277 = vector.shape_cast %get3A_276 : vector<16xf32> to vector<16xf32>
        %ge3A_278 = arith.cmpf oge, %get3A_277, %get3A_204 : vector<16xf32>
        %or3A_279 = arith.ori %or3A_272, %ge3A_278 : vector<16xi1>
        %add3A_280 = arith.constant 176 : i32
        %add3A_281 = arith.addi %mul3A_201, %add3A_280 : i32
        %get3A_282 = arith.index_cast %add3A_281 : i32 to index
        %get3A_283 = tpu.vector_load %arg4[%get3A_282] {strides = array<i32>} : memref<32768xf32, #tpu.memory_space<vmem>>, vector<16xf32>,
        %get3A_284 = vector.shape_cast %get3A_283 : vector<16xf32> to vector<16xf32>
        %ge3A_285 = arith.cmpf oge, %get3A_284, %get3A_204 : vector<16xf32>
        %or3A_286 = arith.ori %or3A_279, %ge3A_285 : vector<16xi1>
        %add3A_287 = arith.constant 192 : i32
        %add3A_288 = arith.addi %mul3A_201, %add3A_287 : i32
        %get3A_289 = arith.index_cast %add3A_288 : i32 to index
        %get3A_290 = tpu.vector_load %arg4[%get3A_289] {strides = array<i32>} : memref<32768xf32, #tpu.memory_space<vmem>>, vector<16xf32>,
        %get3A_291 = vector.shape_cast %get3A_290 : vector<16xf32> to vector<16xf32>
        %ge3A_292 = arith.cmpf oge, %get3A_291, %get3A_204 : vector<16xf32>
        %or3A_293 = arith.ori %or3A_286, %ge3A_292 : vector<16xi1>
        %add3A_294 = arith.constant 208 : i32
        %add3A_295 = arith.addi %mul3A_201, %add3A_294 : i32
        %get3A_296 = arith.index_cast %add3A_295 : i32 to index
        %get3A_297 = tpu.vector_load %arg4[%get3A_296] {strides = array<i32>} : memref<32768xf32, #tpu.memory_space<vmem>>, vector<16xf32>,
        %get3A_298 = vector.shape_cast %get3A_297 : vector<16xf32> to vector<16xf32>
        %ge3A_299 = arith.cmpf oge, %get3A_298, %get3A_204 : vector<16xf32>
        %or3A_300 = arith.ori %or3A_293, %ge3A_299 : vector<16xi1>
        %add3A_301 = arith.constant 224 : i32
        %add3A_302 = arith.addi %mul3A_201, %add3A_301 : i32
        %get3A_303 = arith.index_cast %add3A_302 : i32 to index
        %get3A_304 = tpu.vector_load %arg4[%get3A_303] {strides = array<i32>} : memref<32768xf32, #tpu.memory_space<vmem>>, vector<16xf32>,
        %get3A_305 = vector.shape_cast %get3A_304 : vector<16xf32> to vector<16xf32>
        %ge3A_306 = arith.cmpf oge, %get3A_305, %get3A_204 : vector<16xf32>
        %or3A_307 = arith.ori %or3A_300, %ge3A_306 : vector<16xi1>
        %add3A_308 = arith.constant 240 : i32
        %add3A_309 = arith.addi %mul3A_201, %add3A_308 : i32
        %get3A_310 = arith.index_cast %add3A_309 : i32 to index
        %get3A_311 = tpu.vector_load %arg4[%get3A_310] {strides = array<i32>} : memref<32768xf32, #tpu.memory_space<vmem>>, vector<16xf32>,
        %get3A_312 = vector.shape_cast %get3A_311 : vector<16xf32> to vector<16xf32>
        %ge3A_313 = arith.cmpf oge, %get3A_312, %get3A_204 : vector<16xf32>
        %or3A_314 = arith.ori %or3A_307, %ge3A_313 : vector<16xi1>
        %select_n3A_315 = arith.select %or3A_314, %add3A_6, %mul3A_9 : vector<16xi1>, vector<16xi32>
        %swap3A_316 = arith.constant 16 : index
        %swap3A_317 = tpu.vector_load %arg5[%swap3A_316] {strides = array<i32>} : memref<48xi32, #tpu.memory_space<vmem>>, vector<16xi32>,
        %swap3A_318 = vector.shape_cast %swap3A_317 : vector<16xi32> to vector<16xi32>
        %swap3A_319 = vector.shape_cast %select_n3A_315 : vector<16xi32> to vector<16xi32>
        tpu.vector_store %arg5[%swap3A_316], %swap3A_319 {strides = array<i32>} : memref<48xi32, #tpu.memory_space<vmem>>, vector<16xi32>,
        %get3A_320 = arith.constant 15 : index
        %get3A_321 = tpu.vector_load %arg5[%get3A_320] {strides = array<i32>} : memref<48xi32, #tpu.memory_space<vmem>>, vector<16xi32>,
        %get3A_322 = vector.shape_cast %get3A_321 : vector<16xi32> to vector<16xi32>
        %add3A_323 = arith.addi %select_n3A_315, %get3A_322 : vector<16xi32>
        %swap3A_324 = arith.constant 16 : index
        %swap3A_325 = tpu.vector_load %arg5[%swap3A_324] {strides = array<i32>} : memref<48xi32, #tpu.memory_space<vmem>>, vector<16xi32>,
        %swap3A_326 = vector.shape_cast %swap3A_325 : vector<16xi32> to vector<16xi32>
        %swap3A_327 = vector.shape_cast %add3A_323 : vector<16xi32> to vector<16xi32>
        tpu.vector_store %arg5[%swap3A_324], %swap3A_327 {strides = array<i32>} : memref<48xi32, #tpu.memory_space<vmem>>, vector<16xi32>,
        %get3A_328 = arith.constant 14 : index
        %get3A_329 = tpu.vector_load %arg5[%get3A_328] {strides = array<i32>} : memref<48xi32, #tpu.memory_space<vmem>>, vector<16xi32>,
        %get3A_330 = vector.shape_cast %get3A_329 : vector<16xi32> to vector<16xi32>
        %add3A_331 = arith.addi %add3A_323, %get3A_330 : vector<16xi32>
        %swap3A_332 = arith.constant 16 : index
        %swap3A_333 = tpu.vector_load %arg5[%swap3A_332] {strides = array<i32>} : memref<48xi32, #tpu.memory_space<vmem>>, vector<16xi32>,
        %swap3A_334 = vector.shape_cast %swap3A_333 : vector<16xi32> to vector<16xi32>
        %swap3A_335 = vector.shape_cast %add3A_331 : vector<16xi32> to vector<16xi32>
        tpu.vector_store %arg5[%swap3A_332], %swap3A_335 {strides = array<i32>} : memref<48xi32, #tpu.memory_space<vmem>>, vector<16xi32>,
        %get3A_336 = arith.constant 12 : index
        %get3A_337 = tpu.vector_load %arg5[%get3A_336] {strides = array<i32>} : memref<48xi32, #tpu.memory_space<vmem>>, vector<16xi32>,
        %get3A_338 = vector.shape_cast %get3A_337 : vector<16xi32> to vector<16xi32>
        %add3A_339 = arith.addi %add3A_331, %get3A_338 : vector<16xi32>
        %swap3A_340 = arith.constant 16 : index
        %swap3A_341 = tpu.vector_load %arg5[%swap3A_340] {strides = array<i32>} : memref<48xi32, #tpu.memory_space<vmem>>, vector<16xi32>,
        %swap3A_342 = vector.shape_cast %swap3A_341 : vector<16xi32> to vector<16xi32>
        %swap3A_343 = vector.shape_cast %add3A_339 : vector<16xi32> to vector<16xi32>
        tpu.vector_store %arg5[%swap3A_340], %swap3A_343 {strides = array<i32>} : memref<48xi32, #tpu.memory_space<vmem>>, vector<16xi32>,
        %get3A_344 = arith.constant 8 : index
        %get3A_345 = tpu.vector_load %arg5[%get3A_344] {strides = array<i32>} : memref<48xi32, #tpu.memory_space<vmem>>, vector<16xi32>,
        %get3A_346 = vector.shape_cast %get3A_345 : vector<16xi32> to vector<16xi32>
        %add3A_347 = arith.addi %add3A_339, %get3A_346 : vector<16xi32>
        %swap3A_348 = arith.constant 16 : index
        %swap3A_349 = tpu.vector_load %arg5[%swap3A_348] {strides = array<i32>} : memref<48xi32, #tpu.memory_space<vmem>>, vector<16xi32>,
        %swap3A_350 = vector.shape_cast %swap3A_349 : vector<16xi32> to vector<16xi32>
        %swap3A_351 = vector.shape_cast %add3A_347 : vector<16xi32> to vector<16xi32>
        tpu.vector_store %arg5[%swap3A_348], %swap3A_351 {strides = array<i32>} : memref<48xi32, #tpu.memory_space<vmem>>, vector<16xi32>,
        %get3A_352 = arith.constant 16 : index
        %get3A_353 = tpu.vector_load %arg5[%get3A_352] {strides = array<i32>} : memref<48xi32, #tpu.memory_space<vmem>>, vector<16xi32>,
        %get3A_354 = vector.shape_cast %get3A_353 : vector<16xi32> to vector<16xi32>
        %slice3A_355 = vector.extract_strided_slice %get3A_354 {offsets = [15], sizes = [1], strides = [1]} : vector<16xi32> to vector<1xi32>
        %squeeze3A_356 = vector.extract %slice3A_355[0] : i32 from vector<1xi32>
        %gt3A = arith.constant 0 : i32
        %gt3A_357 = arith.cmpi sgt, %squeeze3A_356, %gt3A : i32
        %convert_element_type3A = arith.extui %gt3A_357 : i1 to i32
        %cond3A = arith.constant 0 : i32
        %cond3A_358 = arith.cmpi ne, %convert_element_type3A, %cond3A : i32
        %cond3A_359 = scf.if %cond3A_358 -> (i32) {
          %scan3A_360 = arith.constant 0 : i32
          %scan3A_361 = arith.constant 16 : i32
          %scan3A_362 = arith.addi %scan3A_360, %scan3A_361 : i32
          %scan3A_363 = arith.constant 1 : i32
          %scan3A_364 = scf.for %scan3A_366 = %scan3A_360 to %scan3A_362 step %scan3A_363 iter_args(%scan3A_367 = %scan3A_199) -> (i32)  : i32 {
            %mul3A_368 = arith.constant 16 : i32
            %mul3A_369 = arith.muli %scan3A_366, %mul3A_368 : i32
            %add3A_370 = arith.addi %mul3A_201, %mul3A_369 : i32
            %get3A_371 = arith.index_cast %add3A_370 : i32 to index
            %get3A_372 = tpu.vector_load %arg4[%get3A_371] {strides = array<i32>} : memref<32768xf32, #tpu.memory_space<vmem>>, vector<16xf32>,
            %get3A_373 = vector.shape_cast %get3A_372 : vector<16xf32> to vector<16xf32>
            %get3A_374 = arith.constant 0 : index
            %get3A_375 = tpu.vector_load %arg9[%get3A_374] {strides = array<i32>} : memref<16xf32, #tpu.memory_space<vmem>>, vector<16xf32>,
            %get3A_376 = vector.shape_cast %get3A_375 : vector<16xf32> to vector<16xf32>
            %ge3A_377 = arith.cmpf oge, %get3A_373, %get3A_376 : vector<16xf32>
            %select_n3A_378 = arith.select %ge3A_377, %add3A_6, %mul3A_9 : vector<16xi1>, vector<16xi32>
            %swap3A_379 = arith.constant 16 : index
            %swap3A_380 = tpu.vector_load %arg5[%swap3A_379] {strides = array<i32>} : memref<48xi32, #tpu.memory_space<vmem>>, vector<16xi32>,
            %swap3A_381 = vector.shape_cast %swap3A_380 : vector<16xi32> to vector<16xi32>
            %swap3A_382 = vector.shape_cast %select_n3A_378 : vector<16xi32> to vector<16xi32>
            tpu.vector_store %arg5[%swap3A_379], %swap3A_382 {strides = array<i32>} : memref<48xi32, #tpu.memory_space<vmem>>, vector<16xi32>,
            %get3A_383 = arith.constant 15 : index
            %get3A_384 = tpu.vector_load %arg5[%get3A_383] {strides = array<i32>} : memref<48xi32, #tpu.memory_space<vmem>>, vector<16xi32>,
            %get3A_385 = vector.shape_cast %get3A_384 : vector<16xi32> to vector<16xi32>
            %add3A_386 = arith.addi %select_n3A_378, %get3A_385 : vector<16xi32>
            %swap3A_387 = arith.constant 16 : index
            %swap3A_388 = tpu.vector_load %arg5[%swap3A_387] {strides = array<i32>} : memref<48xi32, #tpu.memory_space<vmem>>, vector<16xi32>,
            %swap3A_389 = vector.shape_cast %swap3A_388 : vector<16xi32> to vector<16xi32>
            %swap3A_390 = vector.shape_cast %add3A_386 : vector<16xi32> to vector<16xi32>
            tpu.vector_store %arg5[%swap3A_387], %swap3A_390 {strides = array<i32>} : memref<48xi32, #tpu.memory_space<vmem>>, vector<16xi32>,
            %get3A_391 = arith.constant 14 : index
            %get3A_392 = tpu.vector_load %arg5[%get3A_391] {strides = array<i32>} : memref<48xi32, #tpu.memory_space<vmem>>, vector<16xi32>,
            %get3A_393 = vector.shape_cast %get3A_392 : vector<16xi32> to vector<16xi32>
            %add3A_394 = arith.addi %add3A_386, %get3A_393 : vector<16xi32>
            %swap3A_395 = arith.constant 16 : index
            %swap3A_396 = tpu.vector_load %arg5[%swap3A_395] {strides = array<i32>} : memref<48xi32, #tpu.memory_space<vmem>>, vector<16xi32>,
            %swap3A_397 = vector.shape_cast %swap3A_396 : vector<16xi32> to vector<16xi32>
            %swap3A_398 = vector.shape_cast %add3A_394 : vector<16xi32> to vector<16xi32>
            tpu.vector_store %arg5[%swap3A_395], %swap3A_398 {strides = array<i32>} : memref<48xi32, #tpu.memory_space<vmem>>, vector<16xi32>,
            %get3A_399 = arith.constant 12 : index
            %get3A_400 = tpu.vector_load %arg5[%get3A_399] {strides = array<i32>} : memref<48xi32, #tpu.memory_space<vmem>>, vector<16xi32>,
            %get3A_401 = vector.shape_cast %get3A_400 : vector<16xi32> to vector<16xi32>
            %add3A_402 = arith.addi %add3A_394, %get3A_401 : vector<16xi32>
            %swap3A_403 = arith.constant 16 : index
            %swap3A_404 = tpu.vector_load %arg5[%swap3A_403] {strides = array<i32>} : memref<48xi32, #tpu.memory_space<vmem>>, vector<16xi32>,
            %swap3A_405 = vector.shape_cast %swap3A_404 : vector<16xi32> to vector<16xi32>
            %swap3A_406 = vector.shape_cast %add3A_402 : vector<16xi32> to vector<16xi32>
            tpu.vector_store %arg5[%swap3A_403], %swap3A_406 {strides = array<i32>} : memref<48xi32, #tpu.memory_space<vmem>>, vector<16xi32>,
            %get3A_407 = arith.constant 8 : index
            %get3A_408 = tpu.vector_load %arg5[%get3A_407] {strides = array<i32>} : memref<48xi32, #tpu.memory_space<vmem>>, vector<16xi32>,
            %get3A_409 = vector.shape_cast %get3A_408 : vector<16xi32> to vector<16xi32>
            %add3A_410 = arith.addi %add3A_402, %get3A_409 : vector<16xi32>
            %swap3A_411 = arith.constant 16 : index
            %swap3A_412 = tpu.vector_load %arg5[%swap3A_411] {strides = array<i32>} : memref<48xi32, #tpu.memory_space<vmem>>, vector<16xi32>,
            %swap3A_413 = vector.shape_cast %swap3A_412 : vector<16xi32> to vector<16xi32>
            %swap3A_414 = vector.shape_cast %add3A_410 : vector<16xi32> to vector<16xi32>
            tpu.vector_store %arg5[%swap3A_411], %swap3A_414 {strides = array<i32>} : memref<48xi32, #tpu.memory_space<vmem>>, vector<16xi32>,
            %get3A_415 = arith.constant 16 : index
            %get3A_416 = tpu.vector_load %arg5[%get3A_415] {strides = array<i32>} : memref<48xi32, #tpu.memory_space<vmem>>, vector<16xi32>,
            %get3A_417 = vector.shape_cast %get3A_416 : vector<16xi32> to vector<16xi32>
            %slice3A_418 = vector.extract_strided_slice %get3A_417 {offsets = [15], sizes = [1], strides = [1]} : vector<16xi32> to vector<1xi32>
            %squeeze3A_419 = vector.extract %slice3A_418[0] : i32 from vector<1xi32>
            %gt3A_420 = arith.constant 0 : i32
            %gt3A_421 = arith.cmpi sgt, %squeeze3A_419, %gt3A_420 : i32
            %convert_element_type3A_422 = arith.extui %gt3A_421 : i1 to i32
            %cond3A_423 = arith.constant 0 : i32
            %cond3A_424 = arith.cmpi ne, %convert_element_type3A_422, %cond3A_423 : i32
            %cond3A_425 = scf.if %cond3A_424 -> (i32) {
              %mul3A_426 = arith.constant 16 : i32
              %mul3A_427 = arith.muli %scan3A_367, %mul3A_426 : i32
              %swap3A_428 = arith.index_cast %mul3A_427 : i32 to index
              %swap3A_429 = tpu.vector_load %arg7[%swap3A_428] {strides = array<i32>} : memref<32768xf32, #tpu.memory_space<vmem>>, vector<16xf32>,
              %swap3A_430 = vector.shape_cast %swap3A_429 : vector<16xf32> to vector<16xf32>
              %swap3A_431 = vector.shape_cast %get3A_373 : vector<16xf32> to vector<16xf32>
              tpu.vector_store %arg7[%swap3A_428], %swap3A_431 {strides = array<i32>} : memref<32768xf32, #tpu.memory_space<vmem>>, vector<16xf32>,
              %add3A_432 = arith.constant 1 : i32
              %add3A_433 = arith.addi %scan3A_367, %add3A_432 : i32
              %ge3A_434 = arith.constant 120 : i32
              %ge3A_435 = arith.cmpi sge, %add3A_433, %ge3A_434 : i32
              %convert_element_type3A_436 = arith.extui %ge3A_435 : i1 to i32
              %cond3A_437 = arith.constant 0 : i32
              %cond3A_438 = arith.cmpi ne, %convert_element_type3A_436, %cond3A_437 : i32
              %cond3A_439 = scf.if %cond3A_438 -> (i32) {
                %swap3A_440 = arith.constant 0 : index
                %swap3A_441 = tpu.vector_load %arg8[%swap3A_440] {strides = array<i32>} : memref<64xf32, #tpu.memory_space<vmem>>, vector<16xf32>,
                %swap3A_442 = vector.shape_cast %swap3A_441 : vector<16xf32> to vector<16xf32>
                %swap3A_443 = vector.shape_cast %sub3A_15 : vector<16xf32> to vector<16xf32>
                tpu.vector_store %arg8[%swap3A_440], %swap3A_443 {strides = array<i32>} : memref<64xf32, #tpu.memory_space<vmem>>, vector<16xf32>,
                %swap3A_444 = arith.constant 16 : index
                %swap3A_445 = tpu.vector_load %arg8[%swap3A_444] {strides = array<i32>} : memref<64xf32, #tpu.memory_space<vmem>>, vector<16xf32>,
                %swap3A_446 = vector.shape_cast %swap3A_445 : vector<16xf32> to vector<16xf32>
                %swap3A_447 = vector.shape_cast %sub3A_15 : vector<16xf32> to vector<16xf32>
                tpu.vector_store %arg8[%swap3A_444], %swap3A_447 {strides = array<i32>} : memref<64xf32, #tpu.memory_space<vmem>>, vector<16xf32>,
                %swap3A_448 = arith.constant 32 : index
                %swap3A_449 = tpu.vector_load %arg8[%swap3A_448] {strides = array<i32>} : memref<64xf32, #tpu.memory_space<vmem>>, vector<16xf32>,
                %swap3A_450 = vector.shape_cast %swap3A_449 : vector<16xf32> to vector<16xf32>
                %swap3A_451 = vector.shape_cast %sub3A_15 : vector<16xf32> to vector<16xf32>
                tpu.vector_store %arg8[%swap3A_448], %swap3A_451 {strides = array<i32>} : memref<64xf32, #tpu.memory_space<vmem>>, vector<16xf32>,
                %swap3A_452 = arith.constant 48 : index
                %swap3A_453 = tpu.vector_load %arg8[%swap3A_452] {strides = array<i32>} : memref<64xf32, #tpu.memory_space<vmem>>, vector<16xf32>,
                %swap3A_454 = vector.shape_cast %swap3A_453 : vector<16xf32> to vector<16xf32>
                %swap3A_455 = vector.shape_cast %sub3A_15 : vector<16xf32> to vector<16xf32>
                tpu.vector_store %arg8[%swap3A_452], %swap3A_455 {strides = array<i32>} : memref<64xf32, #tpu.memory_space<vmem>>, vector<16xf32>,
                %while3A_456 = arith.constant 0 : i32
                %while3A_457 = arith.constant 0 : i32
                %while3A_458 = arith.subi %add3A_433, %while3A_457 : i32
                %while3A_459 = arith.addi %while3A_457, %while3A_458 : i32
                %while3A_460 = arith.constant 1 : i32
                %while3A_461 = arith.divsi %while3A_458, %while3A_460 : i32
                %while3A_462 = arith.muli %while3A_461, %while3A_460 : i32
                %while3A_463 = arith.addi %while3A_457, %while3A_462 : i32
                %while3A_464 = arith.constant 1 : i32
                scf.for %while3A_572 = %while3A_457 to %while3A_463 step %while3A_464  : i32 {
                  %rem3A = arith.constant 4 : i32
                  %rem3A_573 = arith.remsi %while3A_572, %rem3A : i32
                  %mul3A_574 = arith.constant 16 : i32
                  %mul3A_575 = arith.muli %rem3A_573, %mul3A_574 : i32
                  %get3A_576 = arith.index_cast %mul3A_575 : i32 to index
                  %get3A_577 = tpu.vector_load %arg8[%get3A_576] {strides = array<i32>} : memref<64xf32, #tpu.memory_space<vmem>>, vector<16xf32>,
                  %get3A_578 = vector.shape_cast %get3A_577 : vector<16xf32> to vector<16xf32>
                  %mul3A_579 = arith.constant 16 : i32
                  %mul3A_580 = arith.muli %while3A_572, %mul3A_579 : i32
                  %get3A_581 = arith.index_cast %mul3A_580 : i32 to index
                  %get3A_582 = tpu.vector_load %arg7[%get3A_581] {strides = array<i32>} : memref<32768xf32, #tpu.memory_space<vmem>>, vector<16xf32>,
                  %get3A_583 = vector.shape_cast %get3A_582 : vector<16xf32> to vector<16xf32>
                  %max3A_584 = arith.maximumf %get3A_578, %get3A_583 : vector<16xf32>
                  %swap3A_585 = arith.index_cast %mul3A_575 : i32 to index
                  %swap3A_586 = tpu.vector_load %arg8[%swap3A_585] {strides = array<i32>} : memref<64xf32, #tpu.memory_space<vmem>>, vector<16xf32>,
                  %swap3A_587 = vector.shape_cast %swap3A_586 : vector<16xf32> to vector<16xf32>
                  %swap3A_588 = vector.shape_cast %max3A_584 : vector<16xf32> to vector<16xf32>
                  tpu.vector_store %arg8[%swap3A_585], %swap3A_588 {strides = array<i32>} : memref<64xf32, #tpu.memory_space<vmem>>, vector<16xf32>,
                }
                %while3A_465 = arith.constant 1 : i32
                scf.for %while3A_572 = %while3A_463 to %while3A_459 step %while3A_465  : i32 {
                  %rem3A = arith.constant 4 : i32
                  %rem3A_573 = arith.remsi %while3A_572, %rem3A : i32
                  %mul3A_574 = arith.constant 16 : i32
                  %mul3A_575 = arith.muli %rem3A_573, %mul3A_574 : i32
                  %get3A_576 = arith.index_cast %mul3A_575 : i32 to index
                  %get3A_577 = tpu.vector_load %arg8[%get3A_576] {strides = array<i32>} : memref<64xf32, #tpu.memory_space<vmem>>, vector<16xf32>,
                  %get3A_578 = vector.shape_cast %get3A_577 : vector<16xf32> to vector<16xf32>
                  %mul3A_579 = arith.constant 16 : i32
                  %mul3A_580 = arith.muli %while3A_572, %mul3A_579 : i32
                  %get3A_581 = arith.index_cast %mul3A_580 : i32 to index
                  %get3A_582 = tpu.vector_load %arg7[%get3A_581] {strides = array<i32>} : memref<32768xf32, #tpu.memory_space<vmem>>, vector<16xf32>,
                  %get3A_583 = vector.shape_cast %get3A_582 : vector<16xf32> to vector<16xf32>
                  %max3A_584 = arith.maximumf %get3A_578, %get3A_583 : vector<16xf32>
                  %swap3A_585 = arith.index_cast %mul3A_575 : i32 to index
                  %swap3A_586 = tpu.vector_load %arg8[%swap3A_585] {strides = array<i32>} : memref<64xf32, #tpu.memory_space<vmem>>, vector<16xf32>,
                  %swap3A_587 = vector.shape_cast %swap3A_586 : vector<16xf32> to vector<16xf32>
                  %swap3A_588 = vector.shape_cast %max3A_584 : vector<16xf32> to vector<16xf32>
                  tpu.vector_store %arg8[%swap3A_585], %swap3A_588 {strides = array<i32>} : memref<64xf32, #tpu.memory_space<vmem>>, vector<16xf32>,
                }
                %get3A_466 = arith.constant 0 : index
                %get3A_467 = tpu.vector_load %arg8[%get3A_466] {strides = array<i32>} : memref<64xf32, #tpu.memory_space<vmem>>, vector<16xf32>,
                %get3A_468 = vector.shape_cast %get3A_467 : vector<16xf32> to vector<16xf32>
                %get3A_469 = arith.constant 16 : index
                %get3A_470 = tpu.vector_load %arg8[%get3A_469] {strides = array<i32>} : memref<64xf32, #tpu.memory_space<vmem>>, vector<16xf32>,
                %get3A_471 = vector.shape_cast %get3A_470 : vector<16xf32> to vector<16xf32>
                %min3A_472 = arith.minimumf %get3A_468, %get3A_471 : vector<16xf32>
                %get3A_473 = arith.constant 32 : index
                %get3A_474 = tpu.vector_load %arg8[%get3A_473] {strides = array<i32>} : memref<64xf32, #tpu.memory_space<vmem>>, vector<16xf32>,
                %get3A_475 = vector.shape_cast %get3A_474 : vector<16xf32> to vector<16xf32>
                %min3A_476 = arith.minimumf %min3A_472, %get3A_475 : vector<16xf32>
                %get3A_477 = arith.constant 48 : index
                %get3A_478 = tpu.vector_load %arg8[%get3A_477] {strides = array<i32>} : memref<64xf32, #tpu.memory_space<vmem>>, vector<16xf32>,
                %get3A_479 = vector.shape_cast %get3A_478 : vector<16xf32> to vector<16xf32>
                %min3A_480 = arith.minimumf %min3A_476, %get3A_479 : vector<16xf32>
                %swap3A_481 = arith.constant 16 : index
                %swap3A_482 = tpu.vector_load %arg6[%swap3A_481] {strides = array<i32>} : memref<48xf32, #tpu.memory_space<vmem>>, vector<16xf32>,
                %swap3A_483 = vector.shape_cast %swap3A_482 : vector<16xf32> to vector<16xf32>
                %swap3A_484 = vector.shape_cast %min3A_480 : vector<16xf32> to vector<16xf32>
                tpu.vector_store %arg6[%swap3A_481], %swap3A_484 {strides = array<i32>} : memref<48xf32, #tpu.memory_space<vmem>>, vector<16xf32>,
                %get3A_485 = arith.constant 15 : index
                %get3A_486 = tpu.vector_load %arg6[%get3A_485] {strides = array<i32>} : memref<48xf32, #tpu.memory_space<vmem>>, vector<16xf32>,
                %get3A_487 = vector.shape_cast %get3A_486 : vector<16xf32> to vector<16xf32>
                %ge3A_488 = arith.constant 1 : i32
                %ge3A_489 = vector.broadcast %ge3A_488 : i32 to vector<16xi32>
                %ge3A_490 = arith.cmpi sge, %iota3A, %ge3A_489 : vector<16xi32>
                %neg3A_491 = arith.constant 0.000000e+00 : f32
                %neg3A_492 = vector.broadcast %neg3A_491 : f32 to vector<16xf32>
                %neg3A_493 = arith.subf %neg3A_492, %sub3A_15 : vector<16xf32>
                %select_n3A_494 = arith.select %ge3A_490, %get3A_487, %neg3A_493 : vector<16xi1>, vector<16xf32>
                %min3A_495 = arith.minimumf %min3A_480, %select_n3A_494 : vector<16xf32>
                %swap3A_496 = arith.constant 16 : index
                %swap3A_497 = tpu.vector_load %arg6[%swap3A_496] {strides = array<i32>} : memref<48xf32, #tpu.memory_space<vmem>>, vector<16xf32>,
                %swap3A_498 = vector.shape_cast %swap3A_497 : vector<16xf32> to vector<16xf32>
                %swap3A_499 = vector.shape_cast %min3A_495 : vector<16xf32> to vector<16xf32>
                tpu.vector_store %arg6[%swap3A_496], %swap3A_499 {strides = array<i32>} : memref<48xf32, #tpu.memory_space<vmem>>, vector<16xf32>,
                %get3A_500 = arith.constant 14 : index
                %get3A_501 = tpu.vector_load %arg6[%get3A_500] {strides = array<i32>} : memref<48xf32, #tpu.memory_space<vmem>>, vector<16xf32>,
                %get3A_502 = vector.shape_cast %get3A_501 : vector<16xf32> to vector<16xf32>
                %ge3A_503 = arith.constant 2 : i32
                %ge3A_504 = vector.broadcast %ge3A_503 : i32 to vector<16xi32>
                %ge3A_505 = arith.cmpi sge, %iota3A, %ge3A_504 : vector<16xi32>
                %neg3A_506 = arith.constant 0.000000e+00 : f32
                %neg3A_507 = vector.broadcast %neg3A_506 : f32 to vector<16xf32>
                %neg3A_508 = arith.subf %neg3A_507, %sub3A_15 : vector<16xf32>
                %select_n3A_509 = arith.select %ge3A_505, %get3A_502, %neg3A_508 : vector<16xi1>, vector<16xf32>
                %min3A_510 = arith.minimumf %min3A_495, %select_n3A_509 : vector<16xf32>
                %swap3A_511 = arith.constant 16 : index
                %swap3A_512 = tpu.vector_load %arg6[%swap3A_511] {strides = array<i32>} : memref<48xf32, #tpu.memory_space<vmem>>, vector<16xf32>,
                %swap3A_513 = vector.shape_cast %swap3A_512 : vector<16xf32> to vector<16xf32>
                %swap3A_514 = vector.shape_cast %min3A_510 : vector<16xf32> to vector<16xf32>
                tpu.vector_store %arg6[%swap3A_511], %swap3A_514 {strides = array<i32>} : memref<48xf32, #tpu.memory_space<vmem>>, vector<16xf32>,
                %get3A_515 = arith.constant 12 : index
                %get3A_516 = tpu.vector_load %arg6[%get3A_515] {strides = array<i32>} : memref<48xf32, #tpu.memory_space<vmem>>, vector<16xf32>,
                %get3A_517 = vector.shape_cast %get3A_516 : vector<16xf32> to vector<16xf32>
                %ge3A_518 = arith.constant 4 : i32
                %ge3A_519 = vector.broadcast %ge3A_518 : i32 to vector<16xi32>
                %ge3A_520 = arith.cmpi sge, %iota3A, %ge3A_519 : vector<16xi32>
                %neg3A_521 = arith.constant 0.000000e+00 : f32
                %neg3A_522 = vector.broadcast %neg3A_521 : f32 to vector<16xf32>
                %neg3A_523 = arith.subf %neg3A_522, %sub3A_15 : vector<16xf32>
                %select_n3A_524 = arith.select %ge3A_520, %get3A_517, %neg3A_523 : vector<16xi1>, vector<16xf32>
                %min3A_525 = arith.minimumf %min3A_510, %select_n3A_524 : vector<16xf32>
                %swap3A_526 = arith.constant 16 : index
                %swap3A_527 = tpu.vector_load %arg6[%swap3A_526] {strides = array<i32>} : memref<48xf32, #tpu.memory_space<vmem>>, vector<16xf32>,
                %swap3A_528 = vector.shape_cast %swap3A_527 : vector<16xf32> to vector<16xf32>
                %swap3A_529 = vector.shape_cast %min3A_525 : vector<16xf32> to vector<16xf32>
                tpu.vector_store %arg6[%swap3A_526], %swap3A_529 {strides = array<i32>} : memref<48xf32, #tpu.memory_space<vmem>>, vector<16xf32>,
                %get3A_530 = arith.constant 8 : index
                %get3A_531 = tpu.vector_load %arg6[%get3A_530] {strides = array<i32>} : memref<48xf32, #tpu.memory_space<vmem>>, vector<16xf32>,
                %get3A_532 = vector.shape_cast %get3A_531 : vector<16xf32> to vector<16xf32>
                %ge3A_533 = arith.constant 8 : i32
                %ge3A_534 = vector.broadcast %ge3A_533 : i32 to vector<16xi32>
                %ge3A_535 = arith.cmpi sge, %iota3A, %ge3A_534 : vector<16xi32>
                %neg3A_536 = arith.constant 0.000000e+00 : f32
                %neg3A_537 = vector.broadcast %neg3A_536 : f32 to vector<16xf32>
                %neg3A_538 = arith.subf %neg3A_537, %sub3A_15 : vector<16xf32>
                %select_n3A_539 = arith.select %ge3A_535, %get3A_532, %neg3A_538 : vector<16xi1>, vector<16xf32>
                %min3A_540 = arith.minimumf %min3A_525, %select_n3A_539 : vector<16xf32>
                %swap3A_541 = arith.constant 16 : index
                %swap3A_542 = tpu.vector_load %arg6[%swap3A_541] {strides = array<i32>} : memref<48xf32, #tpu.memory_space<vmem>>, vector<16xf32>,
                %swap3A_543 = vector.shape_cast %swap3A_542 : vector<16xf32> to vector<16xf32>
                %swap3A_544 = vector.shape_cast %min3A_540 : vector<16xf32> to vector<16xf32>
                tpu.vector_store %arg6[%swap3A_541], %swap3A_544 {strides = array<i32>} : memref<48xf32, #tpu.memory_space<vmem>>, vector<16xf32>,
                %get3A_545 = arith.constant 16 : index
                %get3A_546 = tpu.vector_load %arg6[%get3A_545] {strides = array<i32>} : memref<48xf32, #tpu.memory_space<vmem>>, vector<16xf32>,
                %get3A_547 = vector.shape_cast %get3A_546 : vector<16xf32> to vector<16xf32>
                %slice3A_548 = vector.extract_strided_slice %get3A_547 {offsets = [15], sizes = [1], strides = [1]} : vector<16xf32> to vector<1xf32>
                %squeeze3A_549 = vector.extract %slice3A_548[0] : f32 from vector<1xf32>
                %get3A_550 = arith.constant 0 : index
                %get3A_551 = tpu.vector_load %arg9[%get3A_550] {strides = array<i32>} : memref<16xf32, #tpu.memory_space<vmem>>, vector<16xf32>,
                %get3A_552 = vector.shape_cast %get3A_551 : vector<16xf32> to vector<16xf32>
                %mul3A_553 = vector.broadcast %squeeze3A_549 : f32 to vector<16xf32>
                %mul3A_554 = arith.mulf %mul3A_553, %add3A_13 : vector<16xf32>
                %max3A_555 = arith.maximumf %get3A_552, %mul3A_554 : vector<16xf32>
                %swap3A_556 = arith.constant 0 : index
                %swap3A_557 = tpu.vector_load %arg9[%swap3A_556] {strides = array<i32>} : memref<16xf32, #tpu.memory_space<vmem>>, vector<16xf32>,
                %swap3A_558 = vector.shape_cast %swap3A_557 : vector<16xf32> to vector<16xf32>
                %swap3A_559 = vector.shape_cast %max3A_555 : vector<16xf32> to vector<16xf32>
                tpu.vector_store %arg9[%swap3A_556], %swap3A_559 {strides = array<i32>} : memref<16xf32, #tpu.memory_space<vmem>>, vector<16xf32>,
                %while3A_560 = arith.constant 0 : i32
                %while3A_561 = arith.constant 0 : i32
                %while3A_562 = arith.subi %add3A_433, %while3A_560 : i32
                %while3A_563 = arith.addi %while3A_560, %while3A_562 : i32
                %while3A_564 = arith.constant 1 : i32
                %while3A_565 = arith.divsi %while3A_562, %while3A_564 : i32
                %while3A_566 = arith.muli %while3A_565, %while3A_564 : i32
                %while3A_567 = arith.addi %while3A_560, %while3A_566 : i32
                %while3A_568 = arith.constant 1 : i32
                %while3A_569 = scf.for %while3A_572 = %while3A_560 to %while3A_567 step %while3A_568 iter_args(%while3A_573 = %while3A_561) -> (i32)  : i32 {
                  %mul3A_574 = arith.constant 16 : i32
                  %mul3A_575 = arith.muli %while3A_572, %mul3A_574 : i32
                  %get3A_576 = arith.index_cast %mul3A_575 : i32 to index
                  %get3A_577 = tpu.vector_load %arg7[%get3A_576] {strides = array<i32>} : memref<32768xf32, #tpu.memory_space<vmem>>, vector<16xf32>,
                  %get3A_578 = vector.shape_cast %get3A_577 : vector<16xf32> to vector<16xf32>
                  %ge3A_579 = arith.cmpf oge, %get3A_578, %max3A_555 : vector<16xf32>
                  %select_n3A_580 = arith.select %ge3A_579, %add3A_6, %mul3A_9 : vector<16xi1>, vector<16xi32>
                  %swap3A_581 = arith.constant 16 : index
                  %swap3A_582 = tpu.vector_load %arg5[%swap3A_581] {strides = array<i32>} : memref<48xi32, #tpu.memory_space<vmem>>, vector<16xi32>,
                  %swap3A_583 = vector.shape_cast %swap3A_582 : vector<16xi32> to vector<16xi32>
                  %swap3A_584 = vector.shape_cast %select_n3A_580 : vector<16xi32> to vector<16xi32>
                  tpu.vector_store %arg5[%swap3A_581], %swap3A_584 {strides = array<i32>} : memref<48xi32, #tpu.memory_space<vmem>>, vector<16xi32>,
                  %get3A_585 = arith.constant 15 : index
                  %get3A_586 = tpu.vector_load %arg5[%get3A_585] {strides = array<i32>} : memref<48xi32, #tpu.memory_space<vmem>>, vector<16xi32>,
                  %get3A_587 = vector.shape_cast %get3A_586 : vector<16xi32> to vector<16xi32>
                  %add3A_588 = arith.addi %select_n3A_580, %get3A_587 : vector<16xi32>
                  %swap3A_589 = arith.constant 16 : index
                  %swap3A_590 = tpu.vector_load %arg5[%swap3A_589] {strides = array<i32>} : memref<48xi32, #tpu.memory_space<vmem>>, vector<16xi32>,
                  %swap3A_591 = vector.shape_cast %swap3A_590 : vector<16xi32> to vector<16xi32>
                  %swap3A_592 = vector.shape_cast %add3A_588 : vector<16xi32> to vector<16xi32>
                  tpu.vector_store %arg5[%swap3A_589], %swap3A_592 {strides = array<i32>} : memref<48xi32, #tpu.memory_space<vmem>>, vector<16xi32>,
                  %get3A_593 = arith.constant 14 : index
                  %get3A_594 = tpu.vector_load %arg5[%get3A_593] {strides = array<i32>} : memref<48xi32, #tpu.memory_space<vmem>>, vector<16xi32>,
                  %get3A_595 = vector.shape_cast %get3A_594 : vector<16xi32> to vector<16xi32>
                  %add3A_596 = arith.addi %add3A_588, %get3A_595 : vector<16xi32>
                  %swap3A_597 = arith.constant 16 : index
                  %swap3A_598 = tpu.vector_load %arg5[%swap3A_597] {strides = array<i32>} : memref<48xi32, #tpu.memory_space<vmem>>, vector<16xi32>,
                  %swap3A_599 = vector.shape_cast %swap3A_598 : vector<16xi32> to vector<16xi32>
                  %swap3A_600 = vector.shape_cast %add3A_596 : vector<16xi32> to vector<16xi32>
                  tpu.vector_store %arg5[%swap3A_597], %swap3A_600 {strides = array<i32>} : memref<48xi32, #tpu.memory_space<vmem>>, vector<16xi32>,
                  %get3A_601 = arith.constant 12 : index
                  %get3A_602 = tpu.vector_load %arg5[%get3A_601] {strides = array<i32>} : memref<48xi32, #tpu.memory_space<vmem>>, vector<16xi32>,
                  %get3A_603 = vector.shape_cast %get3A_602 : vector<16xi32> to vector<16xi32>
                  %add3A_604 = arith.addi %add3A_596, %get3A_603 : vector<16xi32>
                  %swap3A_605 = arith.constant 16 : index
                  %swap3A_606 = tpu.vector_load %arg5[%swap3A_605] {strides = array<i32>} : memref<48xi32, #tpu.memory_space<vmem>>, vector<16xi32>,
                  %swap3A_607 = vector.shape_cast %swap3A_606 : vector<16xi32> to vector<16xi32>
                  %swap3A_608 = vector.shape_cast %add3A_604 : vector<16xi32> to vector<16xi32>
                  tpu.vector_store %arg5[%swap3A_605], %swap3A_608 {strides = array<i32>} : memref<48xi32, #tpu.memory_space<vmem>>, vector<16xi32>,
                  %get3A_609 = arith.constant 8 : index
                  %get3A_610 = tpu.vector_load %arg5[%get3A_609] {strides = array<i32>} : memref<48xi32, #tpu.memory_space<vmem>>, vector<16xi32>,
                  %get3A_611 = vector.shape_cast %get3A_610 : vector<16xi32> to vector<16xi32>
                  %add3A_612 = arith.addi %add3A_604, %get3A_611 : vector<16xi32>
                  %swap3A_613 = arith.constant 16 : index
                  %swap3A_614 = tpu.vector_load %arg5[%swap3A_613] {strides = array<i32>} : memref<48xi32, #tpu.memory_space<vmem>>, vector<16xi32>,
                  %swap3A_615 = vector.shape_cast %swap3A_614 : vector<16xi32> to vector<16xi32>
                  %swap3A_616 = vector.shape_cast %add3A_612 : vector<16xi32> to vector<16xi32>
                  tpu.vector_store %arg5[%swap3A_613], %swap3A_616 {strides = array<i32>} : memref<48xi32, #tpu.memory_space<vmem>>, vector<16xi32>,
                  %get3A_617 = arith.constant 16 : index
                  %get3A_618 = tpu.vector_load %arg5[%get3A_617] {strides = array<i32>} : memref<48xi32, #tpu.memory_space<vmem>>, vector<16xi32>,
                  %get3A_619 = vector.shape_cast %get3A_618 : vector<16xi32> to vector<16xi32>
                  %slice3A_620 = vector.extract_strided_slice %get3A_619 {offsets = [15], sizes = [1], strides = [1]} : vector<16xi32> to vector<1xi32>
                  %squeeze3A_621 = vector.extract %slice3A_620[0] : i32 from vector<1xi32>
                  %gt3A_622 = arith.constant 0 : i32
                  %gt3A_623 = arith.cmpi sgt, %squeeze3A_621, %gt3A_622 : i32
                  %convert_element_type3A_624 = arith.extui %gt3A_623 : i1 to i32
                  %cond3A_625 = arith.constant 0 : i32
                  %cond3A_626 = arith.cmpi ne, %convert_element_type3A_624, %cond3A_625 : i32
                  %cond3A_627 = scf.if %cond3A_626 -> (i32) {
                    %mul3A_628 = arith.constant 16 : i32
                    %mul3A_629 = arith.muli %while3A_573, %mul3A_628 : i32
                    %swap3A_630 = arith.index_cast %mul3A_629 : i32 to index
                    %swap3A_631 = tpu.vector_load %arg7[%swap3A_630] {strides = array<i32>} : memref<32768xf32, #tpu.memory_space<vmem>>, vector<16xf32>,
                    %swap3A_632 = vector.shape_cast %swap3A_631 : vector<16xf32> to vector<16xf32>
                    %swap3A_633 = vector.shape_cast %get3A_578 : vector<16xf32> to vector<16xf32>
                    tpu.vector_store %arg7[%swap3A_630], %swap3A_633 {strides = array<i32>} : memref<32768xf32, #tpu.memory_space<vmem>>, vector<16xf32>,
                    %add3A_634 = arith.constant 1 : i32
                    %add3A_635 = arith.addi %while3A_573, %add3A_634 : i32
                    scf.yield %add3A_635 : i32
                  } else {
                    scf.yield %while3A_573 : i32
                  }
                  scf.yield %cond3A_627 : i32
                }
                %while3A_570 = arith.constant 1 : i32
                %while3A_571 = scf.for %while3A_572 = %while3A_567 to %while3A_563 step %while3A_570 iter_args(%while3A_573 = %while3A_569) -> (i32)  : i32 {
                  %mul3A_574 = arith.constant 16 : i32
                  %mul3A_575 = arith.muli %while3A_572, %mul3A_574 : i32
                  %get3A_576 = arith.index_cast %mul3A_575 : i32 to index
                  %get3A_577 = tpu.vector_load %arg7[%get3A_576] {strides = array<i32>} : memref<32768xf32, #tpu.memory_space<vmem>>, vector<16xf32>,
                  %get3A_578 = vector.shape_cast %get3A_577 : vector<16xf32> to vector<16xf32>
                  %ge3A_579 = arith.cmpf oge, %get3A_578, %max3A_555 : vector<16xf32>
                  %select_n3A_580 = arith.select %ge3A_579, %add3A_6, %mul3A_9 : vector<16xi1>, vector<16xi32>
                  %swap3A_581 = arith.constant 16 : index
                  %swap3A_582 = tpu.vector_load %arg5[%swap3A_581] {strides = array<i32>} : memref<48xi32, #tpu.memory_space<vmem>>, vector<16xi32>,
                  %swap3A_583 = vector.shape_cast %swap3A_582 : vector<16xi32> to vector<16xi32>
                  %swap3A_584 = vector.shape_cast %select_n3A_580 : vector<16xi32> to vector<16xi32>
                  tpu.vector_store %arg5[%swap3A_581], %swap3A_584 {strides = array<i32>} : memref<48xi32, #tpu.memory_space<vmem>>, vector<16xi32>,
                  %get3A_585 = arith.constant 15 : index
                  %get3A_586 = tpu.vector_load %arg5[%get3A_585] {strides = array<i32>} : memref<48xi32, #tpu.memory_space<vmem>>, vector<16xi32>,
                  %get3A_587 = vector.shape_cast %get3A_586 : vector<16xi32> to vector<16xi32>
                  %add3A_588 = arith.addi %select_n3A_580, %get3A_587 : vector<16xi32>
                  %swap3A_589 = arith.constant 16 : index
                  %swap3A_590 = tpu.vector_load %arg5[%swap3A_589] {strides = array<i32>} : memref<48xi32, #tpu.memory_space<vmem>>, vector<16xi32>,
                  %swap3A_591 = vector.shape_cast %swap3A_590 : vector<16xi32> to vector<16xi32>
                  %swap3A_592 = vector.shape_cast %add3A_588 : vector<16xi32> to vector<16xi32>
                  tpu.vector_store %arg5[%swap3A_589], %swap3A_592 {strides = array<i32>} : memref<48xi32, #tpu.memory_space<vmem>>, vector<16xi32>,
                  %get3A_593 = arith.constant 14 : index
                  %get3A_594 = tpu.vector_load %arg5[%get3A_593] {strides = array<i32>} : memref<48xi32, #tpu.memory_space<vmem>>, vector<16xi32>,
                  %get3A_595 = vector.shape_cast %get3A_594 : vector<16xi32> to vector<16xi32>
                  %add3A_596 = arith.addi %add3A_588, %get3A_595 : vector<16xi32>
                  %swap3A_597 = arith.constant 16 : index
                  %swap3A_598 = tpu.vector_load %arg5[%swap3A_597] {strides = array<i32>} : memref<48xi32, #tpu.memory_space<vmem>>, vector<16xi32>,
                  %swap3A_599 = vector.shape_cast %swap3A_598 : vector<16xi32> to vector<16xi32>
                  %swap3A_600 = vector.shape_cast %add3A_596 : vector<16xi32> to vector<16xi32>
                  tpu.vector_store %arg5[%swap3A_597], %swap3A_600 {strides = array<i32>} : memref<48xi32, #tpu.memory_space<vmem>>, vector<16xi32>,
                  %get3A_601 = arith.constant 12 : index
                  %get3A_602 = tpu.vector_load %arg5[%get3A_601] {strides = array<i32>} : memref<48xi32, #tpu.memory_space<vmem>>, vector<16xi32>,
                  %get3A_603 = vector.shape_cast %get3A_602 : vector<16xi32> to vector<16xi32>
                  %add3A_604 = arith.addi %add3A_596, %get3A_603 : vector<16xi32>
                  %swap3A_605 = arith.constant 16 : index
                  %swap3A_606 = tpu.vector_load %arg5[%swap3A_605] {strides = array<i32>} : memref<48xi32, #tpu.memory_space<vmem>>, vector<16xi32>,
                  %swap3A_607 = vector.shape_cast %swap3A_606 : vector<16xi32> to vector<16xi32>
                  %swap3A_608 = vector.shape_cast %add3A_604 : vector<16xi32> to vector<16xi32>
                  tpu.vector_store %arg5[%swap3A_605], %swap3A_608 {strides = array<i32>} : memref<48xi32, #tpu.memory_space<vmem>>, vector<16xi32>,
                  %get3A_609 = arith.constant 8 : index
                  %get3A_610 = tpu.vector_load %arg5[%get3A_609] {strides = array<i32>} : memref<48xi32, #tpu.memory_space<vmem>>, vector<16xi32>,
                  %get3A_611 = vector.shape_cast %get3A_610 : vector<16xi32> to vector<16xi32>
                  %add3A_612 = arith.addi %add3A_604, %get3A_611 : vector<16xi32>
                  %swap3A_613 = arith.constant 16 : index
                  %swap3A_614 = tpu.vector_load %arg5[%swap3A_613] {strides = array<i32>} : memref<48xi32, #tpu.memory_space<vmem>>, vector<16xi32>,
                  %swap3A_615 = vector.shape_cast %swap3A_614 : vector<16xi32> to vector<16xi32>
                  %swap3A_616 = vector.shape_cast %add3A_612 : vector<16xi32> to vector<16xi32>
                  tpu.vector_store %arg5[%swap3A_613], %swap3A_616 {strides = array<i32>} : memref<48xi32, #tpu.memory_space<vmem>>, vector<16xi32>,
                  %get3A_617 = arith.constant 16 : index
                  %get3A_618 = tpu.vector_load %arg5[%get3A_617] {strides = array<i32>} : memref<48xi32, #tpu.memory_space<vmem>>, vector<16xi32>,
                  %get3A_619 = vector.shape_cast %get3A_618 : vector<16xi32> to vector<16xi32>
                  %slice3A_620 = vector.extract_strided_slice %get3A_619 {offsets = [15], sizes = [1], strides = [1]} : vector<16xi32> to vector<1xi32>
                  %squeeze3A_621 = vector.extract %slice3A_620[0] : i32 from vector<1xi32>
                  %gt3A_622 = arith.constant 0 : i32
                  %gt3A_623 = arith.cmpi sgt, %squeeze3A_621, %gt3A_622 : i32
                  %convert_element_type3A_624 = arith.extui %gt3A_623 : i1 to i32
                  %cond3A_625 = arith.constant 0 : i32
                  %cond3A_626 = arith.cmpi ne, %convert_element_type3A_624, %cond3A_625 : i32
                  %cond3A_627 = scf.if %cond3A_626 -> (i32) {
                    %mul3A_628 = arith.constant 16 : i32
                    %mul3A_629 = arith.muli %while3A_573, %mul3A_628 : i32
                    %swap3A_630 = arith.index_cast %mul3A_629 : i32 to index
                    %swap3A_631 = tpu.vector_load %arg7[%swap3A_630] {strides = array<i32>} : memref<32768xf32, #tpu.memory_space<vmem>>, vector<16xf32>,
                    %swap3A_632 = vector.shape_cast %swap3A_631 : vector<16xf32> to vector<16xf32>
                    %swap3A_633 = vector.shape_cast %get3A_578 : vector<16xf32> to vector<16xf32>
                    tpu.vector_store %arg7[%swap3A_630], %swap3A_633 {strides = array<i32>} : memref<32768xf32, #tpu.memory_space<vmem>>, vector<16xf32>,
                    %add3A_634 = arith.constant 1 : i32
                    %add3A_635 = arith.addi %while3A_573, %add3A_634 : i32
                    scf.yield %add3A_635 : i32
                  } else {
                    scf.yield %while3A_573 : i32
                  }
                  scf.yield %cond3A_627 : i32
                }
                scf.yield %while3A_571 : i32
              } else {
                scf.yield %add3A_433 : i32
              }
              scf.yield %cond3A_439 : i32
            } else {
              scf.yield %scan3A_367 : i32
            }
            scf.yield %cond3A_425 : i32
          }
          %scan3A_365 = arith.constant 16 : i32
          scf.yield %scan3A_364 : i32
        } else {
          scf.yield %scan3A_199 : i32
        }
        scf.yield %cond3A_359 : i32
      }
      %scan3A_52 = arith.constant 128 : i32
      %swap3A_53 = arith.constant 0 : index
      %swap3A_54 = tpu.vector_load %arg8[%swap3A_53] {strides = array<i32>} : memref<64xf32, #tpu.memory_space<vmem>>, vector<16xf32>,
      %swap3A_55 = vector.shape_cast %swap3A_54 : vector<16xf32> to vector<16xf32>
      %swap3A_56 = vector.shape_cast %sub3A_15 : vector<16xf32> to vector<16xf32>
      tpu.vector_store %arg8[%swap3A_53], %swap3A_56 {strides = array<i32>} : memref<64xf32, #tpu.memory_space<vmem>>, vector<16xf32>,
      %swap3A_57 = arith.constant 16 : index
      %swap3A_58 = tpu.vector_load %arg8[%swap3A_57] {strides = array<i32>} : memref<64xf32, #tpu.memory_space<vmem>>, vector<16xf32>,
      %swap3A_59 = vector.shape_cast %swap3A_58 : vector<16xf32> to vector<16xf32>
      %swap3A_60 = vector.shape_cast %sub3A_15 : vector<16xf32> to vector<16xf32>
      tpu.vector_store %arg8[%swap3A_57], %swap3A_60 {strides = array<i32>} : memref<64xf32, #tpu.memory_space<vmem>>, vector<16xf32>,
      %swap3A_61 = arith.constant 32 : index
      %swap3A_62 = tpu.vector_load %arg8[%swap3A_61] {strides = array<i32>} : memref<64xf32, #tpu.memory_space<vmem>>, vector<16xf32>,
      %swap3A_63 = vector.shape_cast %swap3A_62 : vector<16xf32> to vector<16xf32>
      %swap3A_64 = vector.shape_cast %sub3A_15 : vector<16xf32> to vector<16xf32>
      tpu.vector_store %arg8[%swap3A_61], %swap3A_64 {strides = array<i32>} : memref<64xf32, #tpu.memory_space<vmem>>, vector<16xf32>,
      %swap3A_65 = arith.constant 48 : index
      %swap3A_66 = tpu.vector_load %arg8[%swap3A_65] {strides = array<i32>} : memref<64xf32, #tpu.memory_space<vmem>>, vector<16xf32>,
      %swap3A_67 = vector.shape_cast %swap3A_66 : vector<16xf32> to vector<16xf32>
      %swap3A_68 = vector.shape_cast %sub3A_15 : vector<16xf32> to vector<16xf32>
      tpu.vector_store %arg8[%swap3A_65], %swap3A_68 {strides = array<i32>} : memref<64xf32, #tpu.memory_space<vmem>>, vector<16xf32>,
      %while3A = arith.constant 0 : i32
      %while3A_69 = arith.constant 0 : i32
      %while3A_70 = arith.subi %scan3A_51, %while3A_69 : i32
      %while3A_71 = arith.addi %while3A_69, %while3A_70 : i32
      %while3A_72 = arith.constant 1 : i32
      %while3A_73 = arith.divsi %while3A_70, %while3A_72 : i32
      %while3A_74 = arith.muli %while3A_73, %while3A_72 : i32
      %while3A_75 = arith.addi %while3A_69, %while3A_74 : i32
      %while3A_76 = arith.constant 1 : i32
      scf.for %while3A_198 = %while3A_69 to %while3A_75 step %while3A_76  : i32 {
        %rem3A = arith.constant 4 : i32
        %rem3A_199 = arith.remsi %while3A_198, %rem3A : i32
        %mul3A_200 = arith.constant 16 : i32
        %mul3A_201 = arith.muli %rem3A_199, %mul3A_200 : i32
        %get3A_202 = arith.index_cast %mul3A_201 : i32 to index
        %get3A_203 = tpu.vector_load %arg8[%get3A_202] {strides = array<i32>} : memref<64xf32, #tpu.memory_space<vmem>>, vector<16xf32>,
        %get3A_204 = vector.shape_cast %get3A_203 : vector<16xf32> to vector<16xf32>
        %mul3A_205 = arith.constant 16 : i32
        %mul3A_206 = arith.muli %while3A_198, %mul3A_205 : i32
        %get3A_207 = arith.index_cast %mul3A_206 : i32 to index
        %get3A_208 = tpu.vector_load %arg7[%get3A_207] {strides = array<i32>} : memref<32768xf32, #tpu.memory_space<vmem>>, vector<16xf32>,
        %get3A_209 = vector.shape_cast %get3A_208 : vector<16xf32> to vector<16xf32>
        %max3A_210 = arith.maximumf %get3A_204, %get3A_209 : vector<16xf32>
        %swap3A_211 = arith.index_cast %mul3A_201 : i32 to index
        %swap3A_212 = tpu.vector_load %arg8[%swap3A_211] {strides = array<i32>} : memref<64xf32, #tpu.memory_space<vmem>>, vector<16xf32>,
        %swap3A_213 = vector.shape_cast %swap3A_212 : vector<16xf32> to vector<16xf32>
        %swap3A_214 = vector.shape_cast %max3A_210 : vector<16xf32> to vector<16xf32>
        tpu.vector_store %arg8[%swap3A_211], %swap3A_214 {strides = array<i32>} : memref<64xf32, #tpu.memory_space<vmem>>, vector<16xf32>,
      }
      %while3A_77 = arith.constant 1 : i32
      scf.for %while3A_198 = %while3A_75 to %while3A_71 step %while3A_77  : i32 {
        %rem3A = arith.constant 4 : i32
        %rem3A_199 = arith.remsi %while3A_198, %rem3A : i32
        %mul3A_200 = arith.constant 16 : i32
        %mul3A_201 = arith.muli %rem3A_199, %mul3A_200 : i32
        %get3A_202 = arith.index_cast %mul3A_201 : i32 to index
        %get3A_203 = tpu.vector_load %arg8[%get3A_202] {strides = array<i32>} : memref<64xf32, #tpu.memory_space<vmem>>, vector<16xf32>,
        %get3A_204 = vector.shape_cast %get3A_203 : vector<16xf32> to vector<16xf32>
        %mul3A_205 = arith.constant 16 : i32
        %mul3A_206 = arith.muli %while3A_198, %mul3A_205 : i32
        %get3A_207 = arith.index_cast %mul3A_206 : i32 to index
        %get3A_208 = tpu.vector_load %arg7[%get3A_207] {strides = array<i32>} : memref<32768xf32, #tpu.memory_space<vmem>>, vector<16xf32>,
        %get3A_209 = vector.shape_cast %get3A_208 : vector<16xf32> to vector<16xf32>
        %max3A_210 = arith.maximumf %get3A_204, %get3A_209 : vector<16xf32>
        %swap3A_211 = arith.index_cast %mul3A_201 : i32 to index
        %swap3A_212 = tpu.vector_load %arg8[%swap3A_211] {strides = array<i32>} : memref<64xf32, #tpu.memory_space<vmem>>, vector<16xf32>,
        %swap3A_213 = vector.shape_cast %swap3A_212 : vector<16xf32> to vector<16xf32>
        %swap3A_214 = vector.shape_cast %max3A_210 : vector<16xf32> to vector<16xf32>
        tpu.vector_store %arg8[%swap3A_211], %swap3A_214 {strides = array<i32>} : memref<64xf32, #tpu.memory_space<vmem>>, vector<16xf32>,
      }
      %get3A = arith.constant 0 : index
      %get3A_78 = tpu.vector_load %arg8[%get3A] {strides = array<i32>} : memref<64xf32, #tpu.memory_space<vmem>>, vector<16xf32>,
      %get3A_79 = vector.shape_cast %get3A_78 : vector<16xf32> to vector<16xf32>
      %get3A_80 = arith.constant 16 : index
      %get3A_81 = tpu.vector_load %arg8[%get3A_80] {strides = array<i32>} : memref<64xf32, #tpu.memory_space<vmem>>, vector<16xf32>,
      %get3A_82 = vector.shape_cast %get3A_81 : vector<16xf32> to vector<16xf32>
      %min3A = arith.minimumf %get3A_79, %get3A_82 : vector<16xf32>
      %get3A_83 = arith.constant 32 : index
      %get3A_84 = tpu.vector_load %arg8[%get3A_83] {strides = array<i32>} : memref<64xf32, #tpu.memory_space<vmem>>, vector<16xf32>,
      %get3A_85 = vector.shape_cast %get3A_84 : vector<16xf32> to vector<16xf32>
      %min3A_86 = arith.minimumf %min3A, %get3A_85 : vector<16xf32>
      %get3A_87 = arith.constant 48 : index
      %get3A_88 = tpu.vector_load %arg8[%get3A_87] {strides = array<i32>} : memref<64xf32, #tpu.memory_space<vmem>>, vector<16xf32>,
      %get3A_89 = vector.shape_cast %get3A_88 : vector<16xf32> to vector<16xf32>
      %min3A_90 = arith.minimumf %min3A_86, %get3A_89 : vector<16xf32>
      %swap3A_91 = arith.constant 16 : index
      %swap3A_92 = tpu.vector_load %arg6[%swap3A_91] {strides = array<i32>} : memref<48xf32, #tpu.memory_space<vmem>>, vector<16xf32>,
      %swap3A_93 = vector.shape_cast %swap3A_92 : vector<16xf32> to vector<16xf32>
      %swap3A_94 = vector.shape_cast %min3A_90 : vector<16xf32> to vector<16xf32>
      tpu.vector_store %arg6[%swap3A_91], %swap3A_94 {strides = array<i32>} : memref<48xf32, #tpu.memory_space<vmem>>, vector<16xf32>,
      %get3A_95 = arith.constant 15 : index
      %get3A_96 = tpu.vector_load %arg6[%get3A_95] {strides = array<i32>} : memref<48xf32, #tpu.memory_space<vmem>>, vector<16xf32>,
      %get3A_97 = vector.shape_cast %get3A_96 : vector<16xf32> to vector<16xf32>
      %ge3A = arith.constant 1 : i32
      %ge3A_98 = vector.broadcast %ge3A : i32 to vector<16xi32>
      %ge3A_99 = arith.cmpi sge, %iota3A, %ge3A_98 : vector<16xi32>
      %neg3A = arith.constant 0.000000e+00 : f32
      %neg3A_100 = vector.broadcast %neg3A : f32 to vector<16xf32>
      %neg3A_101 = arith.subf %neg3A_100, %sub3A_15 : vector<16xf32>
      %select_n3A = arith.select %ge3A_99, %get3A_97, %neg3A_101 : vector<16xi1>, vector<16xf32>
      %min3A_102 = arith.minimumf %min3A_90, %select_n3A : vector<16xf32>
      %swap3A_103 = arith.constant 16 : index
      %swap3A_104 = tpu.vector_load %arg6[%swap3A_103] {strides = array<i32>} : memref<48xf32, #tpu.memory_space<vmem>>, vector<16xf32>,
      %swap3A_105 = vector.shape_cast %swap3A_104 : vector<16xf32> to vector<16xf32>
      %swap3A_106 = vector.shape_cast %min3A_102 : vector<16xf32> to vector<16xf32>
      tpu.vector_store %arg6[%swap3A_103], %swap3A_106 {strides = array<i32>} : memref<48xf32, #tpu.memory_space<vmem>>, vector<16xf32>,
      %get3A_107 = arith.constant 14 : index
      %get3A_108 = tpu.vector_load %arg6[%get3A_107] {strides = array<i32>} : memref<48xf32, #tpu.memory_space<vmem>>, vector<16xf32>,
      %get3A_109 = vector.shape_cast %get3A_108 : vector<16xf32> to vector<16xf32>
      %ge3A_110 = arith.constant 2 : i32
      %ge3A_111 = vector.broadcast %ge3A_110 : i32 to vector<16xi32>
      %ge3A_112 = arith.cmpi sge, %iota3A, %ge3A_111 : vector<16xi32>
      %neg3A_113 = arith.constant 0.000000e+00 : f32
      %neg3A_114 = vector.broadcast %neg3A_113 : f32 to vector<16xf32>
      %neg3A_115 = arith.subf %neg3A_114, %sub3A_15 : vector<16xf32>
      %select_n3A_116 = arith.select %ge3A_112, %get3A_109, %neg3A_115 : vector<16xi1>, vector<16xf32>
      %min3A_117 = arith.minimumf %min3A_102, %select_n3A_116 : vector<16xf32>
      %swap3A_118 = arith.constant 16 : index
      %swap3A_119 = tpu.vector_load %arg6[%swap3A_118] {strides = array<i32>} : memref<48xf32, #tpu.memory_space<vmem>>, vector<16xf32>,
      %swap3A_120 = vector.shape_cast %swap3A_119 : vector<16xf32> to vector<16xf32>
      %swap3A_121 = vector.shape_cast %min3A_117 : vector<16xf32> to vector<16xf32>
      tpu.vector_store %arg6[%swap3A_118], %swap3A_121 {strides = array<i32>} : memref<48xf32, #tpu.memory_space<vmem>>, vector<16xf32>,
      %get3A_122 = arith.constant 12 : index
      %get3A_123 = tpu.vector_load %arg6[%get3A_122] {strides = array<i32>} : memref<48xf32, #tpu.memory_space<vmem>>, vector<16xf32>,
      %get3A_124 = vector.shape_cast %get3A_123 : vector<16xf32> to vector<16xf32>
      %ge3A_125 = arith.constant 4 : i32
      %ge3A_126 = vector.broadcast %ge3A_125 : i32 to vector<16xi32>
      %ge3A_127 = arith.cmpi sge, %iota3A, %ge3A_126 : vector<16xi32>
      %neg3A_128 = arith.constant 0.000000e+00 : f32
      %neg3A_129 = vector.broadcast %neg3A_128 : f32 to vector<16xf32>
      %neg3A_130 = arith.subf %neg3A_129, %sub3A_15 : vector<16xf32>
      %select_n3A_131 = arith.select %ge3A_127, %get3A_124, %neg3A_130 : vector<16xi1>, vector<16xf32>
      %min3A_132 = arith.minimumf %min3A_117, %select_n3A_131 : vector<16xf32>
      %swap3A_133 = arith.constant 16 : index
      %swap3A_134 = tpu.vector_load %arg6[%swap3A_133] {strides = array<i32>} : memref<48xf32, #tpu.memory_space<vmem>>, vector<16xf32>,
      %swap3A_135 = vector.shape_cast %swap3A_134 : vector<16xf32> to vector<16xf32>
      %swap3A_136 = vector.shape_cast %min3A_132 : vector<16xf32> to vector<16xf32>
      tpu.vector_store %arg6[%swap3A_133], %swap3A_136 {strides = array<i32>} : memref<48xf32, #tpu.memory_space<vmem>>, vector<16xf32>,
      %get3A_137 = arith.constant 8 : index
      %get3A_138 = tpu.vector_load %arg6[%get3A_137] {strides = array<i32>} : memref<48xf32, #tpu.memory_space<vmem>>, vector<16xf32>,
      %get3A_139 = vector.shape_cast %get3A_138 : vector<16xf32> to vector<16xf32>
      %ge3A_140 = arith.constant 8 : i32
      %ge3A_141 = vector.broadcast %ge3A_140 : i32 to vector<16xi32>
      %ge3A_142 = arith.cmpi sge, %iota3A, %ge3A_141 : vector<16xi32>
      %neg3A_143 = arith.constant 0.000000e+00 : f32
      %neg3A_144 = vector.broadcast %neg3A_143 : f32 to vector<16xf32>
      %neg3A_145 = arith.subf %neg3A_144, %sub3A_15 : vector<16xf32>
      %select_n3A_146 = arith.select %ge3A_142, %get3A_139, %neg3A_145 : vector<16xi1>, vector<16xf32>
      %min3A_147 = arith.minimumf %min3A_132, %select_n3A_146 : vector<16xf32>
      %swap3A_148 = arith.constant 16 : index
      %swap3A_149 = tpu.vector_load %arg6[%swap3A_148] {strides = array<i32>} : memref<48xf32, #tpu.memory_space<vmem>>, vector<16xf32>,
      %swap3A_150 = vector.shape_cast %swap3A_149 : vector<16xf32> to vector<16xf32>
      %swap3A_151 = vector.shape_cast %min3A_147 : vector<16xf32> to vector<16xf32>
      tpu.vector_store %arg6[%swap3A_148], %swap3A_151 {strides = array<i32>} : memref<48xf32, #tpu.memory_space<vmem>>, vector<16xf32>,
      %get3A_152 = arith.constant 16 : index
      %get3A_153 = tpu.vector_load %arg6[%get3A_152] {strides = array<i32>} : memref<48xf32, #tpu.memory_space<vmem>>, vector<16xf32>,
      %get3A_154 = vector.shape_cast %get3A_153 : vector<16xf32> to vector<16xf32>
      %slice3A = vector.extract_strided_slice %get3A_154 {offsets = [15], sizes = [1], strides = [1]} : vector<16xf32> to vector<1xf32>
      %squeeze3A = vector.extract %slice3A[0] : f32 from vector<1xf32>
      %get3A_155 = arith.constant 0 : index
      %get3A_156 = tpu.vector_load %arg9[%get3A_155] {strides = array<i32>} : memref<16xf32, #tpu.memory_space<vmem>>, vector<16xf32>,
      %get3A_157 = vector.shape_cast %get3A_156 : vector<16xf32> to vector<16xf32>
      %mul3A_158 = vector.broadcast %squeeze3A : f32 to vector<16xf32>
      %mul3A_159 = arith.mulf %mul3A_158, %add3A_13 : vector<16xf32>
      %max3A = arith.maximumf %get3A_157, %mul3A_159 : vector<16xf32>
      %swap3A_160 = arith.constant 0 : index
      %swap3A_161 = tpu.vector_load %arg9[%swap3A_160] {strides = array<i32>} : memref<16xf32, #tpu.memory_space<vmem>>, vector<16xf32>,
      %swap3A_162 = vector.shape_cast %swap3A_161 : vector<16xf32> to vector<16xf32>
      %swap3A_163 = vector.shape_cast %max3A : vector<16xf32> to vector<16xf32>
      tpu.vector_store %arg9[%swap3A_160], %swap3A_163 {strides = array<i32>} : memref<16xf32, #tpu.memory_space<vmem>>, vector<16xf32>,
      %while3A_164 = arith.constant 0 : i32
      %while3A_165 = arith.constant 0 : i32
      %while3A_166 = arith.subi %scan3A_51, %while3A_164 : i32
      %while3A_167 = arith.addi %while3A_164, %while3A_166 : i32
      %while3A_168 = arith.constant 1 : i32
      %while3A_169 = arith.divsi %while3A_166, %while3A_168 : i32
      %while3A_170 = arith.muli %while3A_169, %while3A_168 : i32
      %while3A_171 = arith.addi %while3A_164, %while3A_170 : i32
      %while3A_172 = arith.constant 1 : i32
      %while3A_173 = scf.for %while3A_198 = %while3A_164 to %while3A_171 step %while3A_172 iter_args(%while3A_199 = %while3A_165) -> (i32)  : i32 {
        %mul3A_200 = arith.constant 16 : i32
        %mul3A_201 = arith.muli %while3A_198, %mul3A_200 : i32
        %get3A_202 = arith.index_cast %mul3A_201 : i32 to index
        %get3A_203 = tpu.vector_load %arg7[%get3A_202] {strides = array<i32>} : memref<32768xf32, #tpu.memory_space<vmem>>, vector<16xf32>,
        %get3A_204 = vector.shape_cast %get3A_203 : vector<16xf32> to vector<16xf32>
        %ge3A_205 = arith.cmpf oge, %get3A_204, %max3A : vector<16xf32>
        %select_n3A_206 = arith.select %ge3A_205, %add3A_6, %mul3A_9 : vector<16xi1>, vector<16xi32>
        %swap3A_207 = arith.constant 16 : index
        %swap3A_208 = tpu.vector_load %arg5[%swap3A_207] {strides = array<i32>} : memref<48xi32, #tpu.memory_space<vmem>>, vector<16xi32>,
        %swap3A_209 = vector.shape_cast %swap3A_208 : vector<16xi32> to vector<16xi32>
        %swap3A_210 = vector.shape_cast %select_n3A_206 : vector<16xi32> to vector<16xi32>
        tpu.vector_store %arg5[%swap3A_207], %swap3A_210 {strides = array<i32>} : memref<48xi32, #tpu.memory_space<vmem>>, vector<16xi32>,
        %get3A_211 = arith.constant 15 : index
        %get3A_212 = tpu.vector_load %arg5[%get3A_211] {strides = array<i32>} : memref<48xi32, #tpu.memory_space<vmem>>, vector<16xi32>,
        %get3A_213 = vector.shape_cast %get3A_212 : vector<16xi32> to vector<16xi32>
        %add3A_214 = arith.addi %select_n3A_206, %get3A_213 : vector<16xi32>
        %swap3A_215 = arith.constant 16 : index
        %swap3A_216 = tpu.vector_load %arg5[%swap3A_215] {strides = array<i32>} : memref<48xi32, #tpu.memory_space<vmem>>, vector<16xi32>,
        %swap3A_217 = vector.shape_cast %swap3A_216 : vector<16xi32> to vector<16xi32>
        %swap3A_218 = vector.shape_cast %add3A_214 : vector<16xi32> to vector<16xi32>
        tpu.vector_store %arg5[%swap3A_215], %swap3A_218 {strides = array<i32>} : memref<48xi32, #tpu.memory_space<vmem>>, vector<16xi32>,
        %get3A_219 = arith.constant 14 : index
        %get3A_220 = tpu.vector_load %arg5[%get3A_219] {strides = array<i32>} : memref<48xi32, #tpu.memory_space<vmem>>, vector<16xi32>,
        %get3A_221 = vector.shape_cast %get3A_220 : vector<16xi32> to vector<16xi32>
        %add3A_222 = arith.addi %add3A_214, %get3A_221 : vector<16xi32>
        %swap3A_223 = arith.constant 16 : index
        %swap3A_224 = tpu.vector_load %arg5[%swap3A_223] {strides = array<i32>} : memref<48xi32, #tpu.memory_space<vmem>>, vector<16xi32>,
        %swap3A_225 = vector.shape_cast %swap3A_224 : vector<16xi32> to vector<16xi32>
        %swap3A_226 = vector.shape_cast %add3A_222 : vector<16xi32> to vector<16xi32>
        tpu.vector_store %arg5[%swap3A_223], %swap3A_226 {strides = array<i32>} : memref<48xi32, #tpu.memory_space<vmem>>, vector<16xi32>,
        %get3A_227 = arith.constant 12 : index
        %get3A_228 = tpu.vector_load %arg5[%get3A_227] {strides = array<i32>} : memref<48xi32, #tpu.memory_space<vmem>>, vector<16xi32>,
        %get3A_229 = vector.shape_cast %get3A_228 : vector<16xi32> to vector<16xi32>
        %add3A_230 = arith.addi %add3A_222, %get3A_229 : vector<16xi32>
        %swap3A_231 = arith.constant 16 : index
        %swap3A_232 = tpu.vector_load %arg5[%swap3A_231] {strides = array<i32>} : memref<48xi32, #tpu.memory_space<vmem>>, vector<16xi32>,
        %swap3A_233 = vector.shape_cast %swap3A_232 : vector<16xi32> to vector<16xi32>
        %swap3A_234 = vector.shape_cast %add3A_230 : vector<16xi32> to vector<16xi32>
        tpu.vector_store %arg5[%swap3A_231], %swap3A_234 {strides = array<i32>} : memref<48xi32, #tpu.memory_space<vmem>>, vector<16xi32>,
        %get3A_235 = arith.constant 8 : index
        %get3A_236 = tpu.vector_load %arg5[%get3A_235] {strides = array<i32>} : memref<48xi32, #tpu.memory_space<vmem>>, vector<16xi32>,
        %get3A_237 = vector.shape_cast %get3A_236 : vector<16xi32> to vector<16xi32>
        %add3A_238 = arith.addi %add3A_230, %get3A_237 : vector<16xi32>
        %swap3A_239 = arith.constant 16 : index
        %swap3A_240 = tpu.vector_load %arg5[%swap3A_239] {strides = array<i32>} : memref<48xi32, #tpu.memory_space<vmem>>, vector<16xi32>,
        %swap3A_241 = vector.shape_cast %swap3A_240 : vector<16xi32> to vector<16xi32>
        %swap3A_242 = vector.shape_cast %add3A_238 : vector<16xi32> to vector<16xi32>
        tpu.vector_store %arg5[%swap3A_239], %swap3A_242 {strides = array<i32>} : memref<48xi32, #tpu.memory_space<vmem>>, vector<16xi32>,
        %get3A_243 = arith.constant 16 : index
        %get3A_244 = tpu.vector_load %arg5[%get3A_243] {strides = array<i32>} : memref<48xi32, #tpu.memory_space<vmem>>, vector<16xi32>,
        %get3A_245 = vector.shape_cast %get3A_244 : vector<16xi32> to vector<16xi32>
        %slice3A_246 = vector.extract_strided_slice %get3A_245 {offsets = [15], sizes = [1], strides = [1]} : vector<16xi32> to vector<1xi32>
        %squeeze3A_247 = vector.extract %slice3A_246[0] : i32 from vector<1xi32>
        %gt3A = arith.constant 0 : i32
        %gt3A_248 = arith.cmpi sgt, %squeeze3A_247, %gt3A : i32
        %convert_element_type3A = arith.extui %gt3A_248 : i1 to i32
        %cond3A = arith.constant 0 : i32
        %cond3A_249 = arith.cmpi ne, %convert_element_type3A, %cond3A : i32
        %cond3A_250 = scf.if %cond3A_249 -> (i32) {
          %mul3A_251 = arith.constant 16 : i32
          %mul3A_252 = arith.muli %while3A_199, %mul3A_251 : i32
          %swap3A_253 = arith.index_cast %mul3A_252 : i32 to index
          %swap3A_254 = tpu.vector_load %arg7[%swap3A_253] {strides = array<i32>} : memref<32768xf32, #tpu.memory_space<vmem>>, vector<16xf32>,
          %swap3A_255 = vector.shape_cast %swap3A_254 : vector<16xf32> to vector<16xf32>
          %swap3A_256 = vector.shape_cast %get3A_204 : vector<16xf32> to vector<16xf32>
          tpu.vector_store %arg7[%swap3A_253], %swap3A_256 {strides = array<i32>} : memref<32768xf32, #tpu.memory_space<vmem>>, vector<16xf32>,
          %add3A_257 = arith.constant 1 : i32
          %add3A_258 = arith.addi %while3A_199, %add3A_257 : i32
          scf.yield %add3A_258 : i32
        } else {
          scf.yield %while3A_199 : i32
        }
        scf.yield %cond3A_250 : i32
      }
      %while3A_174 = arith.constant 1 : i32
      %while3A_175 = scf.for %while3A_198 = %while3A_171 to %while3A_167 step %while3A_174 iter_args(%while3A_199 = %while3A_173) -> (i32)  : i32 {
        %mul3A_200 = arith.constant 16 : i32
        %mul3A_201 = arith.muli %while3A_198, %mul3A_200 : i32
        %get3A_202 = arith.index_cast %mul3A_201 : i32 to index
        %get3A_203 = tpu.vector_load %arg7[%get3A_202] {strides = array<i32>} : memref<32768xf32, #tpu.memory_space<vmem>>, vector<16xf32>,
        %get3A_204 = vector.shape_cast %get3A_203 : vector<16xf32> to vector<16xf32>
        %ge3A_205 = arith.cmpf oge, %get3A_204, %max3A : vector<16xf32>
        %select_n3A_206 = arith.select %ge3A_205, %add3A_6, %mul3A_9 : vector<16xi1>, vector<16xi32>
        %swap3A_207 = arith.constant 16 : index
        %swap3A_208 = tpu.vector_load %arg5[%swap3A_207] {strides = array<i32>} : memref<48xi32, #tpu.memory_space<vmem>>, vector<16xi32>,
        %swap3A_209 = vector.shape_cast %swap3A_208 : vector<16xi32> to vector<16xi32>
        %swap3A_210 = vector.shape_cast %select_n3A_206 : vector<16xi32> to vector<16xi32>
        tpu.vector_store %arg5[%swap3A_207], %swap3A_210 {strides = array<i32>} : memref<48xi32, #tpu.memory_space<vmem>>, vector<16xi32>,
        %get3A_211 = arith.constant 15 : index
        %get3A_212 = tpu.vector_load %arg5[%get3A_211] {strides = array<i32>} : memref<48xi32, #tpu.memory_space<vmem>>, vector<16xi32>,
        %get3A_213 = vector.shape_cast %get3A_212 : vector<16xi32> to vector<16xi32>
        %add3A_214 = arith.addi %select_n3A_206, %get3A_213 : vector<16xi32>
        %swap3A_215 = arith.constant 16 : index
        %swap3A_216 = tpu.vector_load %arg5[%swap3A_215] {strides = array<i32>} : memref<48xi32, #tpu.memory_space<vmem>>, vector<16xi32>,
        %swap3A_217 = vector.shape_cast %swap3A_216 : vector<16xi32> to vector<16xi32>
        %swap3A_218 = vector.shape_cast %add3A_214 : vector<16xi32> to vector<16xi32>
        tpu.vector_store %arg5[%swap3A_215], %swap3A_218 {strides = array<i32>} : memref<48xi32, #tpu.memory_space<vmem>>, vector<16xi32>,
        %get3A_219 = arith.constant 14 : index
        %get3A_220 = tpu.vector_load %arg5[%get3A_219] {strides = array<i32>} : memref<48xi32, #tpu.memory_space<vmem>>, vector<16xi32>,
        %get3A_221 = vector.shape_cast %get3A_220 : vector<16xi32> to vector<16xi32>
        %add3A_222 = arith.addi %add3A_214, %get3A_221 : vector<16xi32>
        %swap3A_223 = arith.constant 16 : index
        %swap3A_224 = tpu.vector_load %arg5[%swap3A_223] {strides = array<i32>} : memref<48xi32, #tpu.memory_space<vmem>>, vector<16xi32>,
        %swap3A_225 = vector.shape_cast %swap3A_224 : vector<16xi32> to vector<16xi32>
        %swap3A_226 = vector.shape_cast %add3A_222 : vector<16xi32> to vector<16xi32>
        tpu.vector_store %arg5[%swap3A_223], %swap3A_226 {strides = array<i32>} : memref<48xi32, #tpu.memory_space<vmem>>, vector<16xi32>,
        %get3A_227 = arith.constant 12 : index
        %get3A_228 = tpu.vector_load %arg5[%get3A_227] {strides = array<i32>} : memref<48xi32, #tpu.memory_space<vmem>>, vector<16xi32>,
        %get3A_229 = vector.shape_cast %get3A_228 : vector<16xi32> to vector<16xi32>
        %add3A_230 = arith.addi %add3A_222, %get3A_229 : vector<16xi32>
        %swap3A_231 = arith.constant 16 : index
        %swap3A_232 = tpu.vector_load %arg5[%swap3A_231] {strides = array<i32>} : memref<48xi32, #tpu.memory_space<vmem>>, vector<16xi32>,
        %swap3A_233 = vector.shape_cast %swap3A_232 : vector<16xi32> to vector<16xi32>
        %swap3A_234 = vector.shape_cast %add3A_230 : vector<16xi32> to vector<16xi32>
        tpu.vector_store %arg5[%swap3A_231], %swap3A_234 {strides = array<i32>} : memref<48xi32, #tpu.memory_space<vmem>>, vector<16xi32>,
        %get3A_235 = arith.constant 8 : index
        %get3A_236 = tpu.vector_load %arg5[%get3A_235] {strides = array<i32>} : memref<48xi32, #tpu.memory_space<vmem>>, vector<16xi32>,
        %get3A_237 = vector.shape_cast %get3A_236 : vector<16xi32> to vector<16xi32>
        %add3A_238 = arith.addi %add3A_230, %get3A_237 : vector<16xi32>
        %swap3A_239 = arith.constant 16 : index
        %swap3A_240 = tpu.vector_load %arg5[%swap3A_239] {strides = array<i32>} : memref<48xi32, #tpu.memory_space<vmem>>, vector<16xi32>,
        %swap3A_241 = vector.shape_cast %swap3A_240 : vector<16xi32> to vector<16xi32>
        %swap3A_242 = vector.shape_cast %add3A_238 : vector<16xi32> to vector<16xi32>
        tpu.vector_store %arg5[%swap3A_239], %swap3A_242 {strides = array<i32>} : memref<48xi32, #tpu.memory_space<vmem>>, vector<16xi32>,
        %get3A_243 = arith.constant 16 : index
        %get3A_244 = tpu.vector_load %arg5[%get3A_243] {strides = array<i32>} : memref<48xi32, #tpu.memory_space<vmem>>, vector<16xi32>,
        %get3A_245 = vector.shape_cast %get3A_244 : vector<16xi32> to vector<16xi32>
        %slice3A_246 = vector.extract_strided_slice %get3A_245 {offsets = [15], sizes = [1], strides = [1]} : vector<16xi32> to vector<1xi32>
        %squeeze3A_247 = vector.extract %slice3A_246[0] : i32 from vector<1xi32>
        %gt3A = arith.constant 0 : i32
        %gt3A_248 = arith.cmpi sgt, %squeeze3A_247, %gt3A : i32
        %convert_element_type3A = arith.extui %gt3A_248 : i1 to i32
        %cond3A = arith.constant 0 : i32
        %cond3A_249 = arith.cmpi ne, %convert_element_type3A, %cond3A : i32
        %cond3A_250 = scf.if %cond3A_249 -> (i32) {
          %mul3A_251 = arith.constant 16 : i32
          %mul3A_252 = arith.muli %while3A_199, %mul3A_251 : i32
          %swap3A_253 = arith.index_cast %mul3A_252 : i32 to index
          %swap3A_254 = tpu.vector_load %arg7[%swap3A_253] {strides = array<i32>} : memref<32768xf32, #tpu.memory_space<vmem>>, vector<16xf32>,
          %swap3A_255 = vector.shape_cast %swap3A_254 : vector<16xf32> to vector<16xf32>
          %swap3A_256 = vector.shape_cast %get3A_204 : vector<16xf32> to vector<16xf32>
          tpu.vector_store %arg7[%swap3A_253], %swap3A_256 {strides = array<i32>} : memref<32768xf32, #tpu.memory_space<vmem>>, vector<16xf32>,
          %add3A_257 = arith.constant 1 : i32
          %add3A_258 = arith.addi %while3A_199, %add3A_257 : i32
          scf.yield %add3A_258 : i32
        } else {
          scf.yield %while3A_199 : i32
        }
        scf.yield %cond3A_250 : i32
      }
      %scan3A_176 = arith.constant 0x7F800000 : f32
      %scan3A_177 = arith.constant 0 : i32
      %scan3A_178 = arith.constant 0 : i32
      %scan3A_179 = arith.constant 0x7F800000 : f32
      %scan3A_180 = arith.constant 0 : i32
      %scan3A_181 = arith.constant 50 : i32
      %scan3A_182 = arith.addi %scan3A_180, %scan3A_181 : i32
      %scan3A_183 = arith.constant 1 : i32
      %scan3A_184:4 = scf.for %scan3A_198 = %scan3A_180 to %scan3A_182 step %scan3A_183 iter_args(%scan3A_199 = %scan3A_176, %scan3A_200 = %scan3A_177, %scan3A_201 = %scan3A_178, %scan3A_202 = %scan3A_179) -> (f32, i32, i32, f32)  : i32 {
        %lt3A = arith.constant 50 : i32
        %lt3A_203 = arith.cmpi slt, %scan3A_200, %lt3A : i32
        %convert_element_type3A = arith.extui %lt3A_203 : i1 to i32
        %cond3A = arith.constant 0 : i32
        %cond3A_204 = arith.cmpi ne, %convert_element_type3A, %cond3A : i32
        %cond3A_205:4 = scf.if %cond3A_204 -> (f32, i32, i32, f32) {
          %mul3A_206 = vector.broadcast %scan3A_199 : f32 to vector<16xf32>
          %mul3A_207 = arith.mulf %mul3A_206, %add3A_13 : vector<16xf32>
          %while3A_208 = arith.constant 0 : i32
          %while3A_209 = arith.subi %while3A_175, %while3A_208 : i32
          %while3A_210 = arith.addi %while3A_208, %while3A_209 : i32
          %while3A_211 = arith.constant 1 : i32
          %while3A_212 = arith.divsi %while3A_209, %while3A_211 : i32
          %while3A_213 = arith.muli %while3A_212, %while3A_211 : i32
          %while3A_214 = arith.addi %while3A_208, %while3A_213 : i32
          %while3A_215 = arith.constant 1 : i32
          %while3A_216 = scf.for %while3A_331 = %while3A_208 to %while3A_214 step %while3A_215 iter_args(%while3A_332 = %sub3A_15) -> (vector<16xf32>)  : i32 {
            %mul3A_333 = arith.constant 16 : i32
            %mul3A_334 = arith.muli %while3A_331, %mul3A_333 : i32
            %get3A_335 = arith.index_cast %mul3A_334 : i32 to index
            %get3A_336 = tpu.vector_load %arg7[%get3A_335] {strides = array<i32>} : memref<32768xf32, #tpu.memory_space<vmem>>, vector<16xf32>,
            %get3A_337 = vector.shape_cast %get3A_336 : vector<16xf32> to vector<16xf32>
            %lt3A_338 = arith.cmpf olt, %get3A_337, %mul3A_207 : vector<16xf32>
            %select_n3A_339 = arith.select %lt3A_338, %get3A_337, %sub3A_15 : vector<16xi1>, vector<16xf32>
            %max3A_340 = arith.maximumf %while3A_332, %select_n3A_339 : vector<16xf32>
            scf.yield %max3A_340 : vector<16xf32>
          }
          %while3A_217 = arith.constant 1 : i32
          %while3A_218 = scf.for %while3A_331 = %while3A_214 to %while3A_210 step %while3A_217 iter_args(%while3A_332 = %while3A_216) -> (vector<16xf32>)  : i32 {
            %mul3A_333 = arith.constant 16 : i32
            %mul3A_334 = arith.muli %while3A_331, %mul3A_333 : i32
            %get3A_335 = arith.index_cast %mul3A_334 : i32 to index
            %get3A_336 = tpu.vector_load %arg7[%get3A_335] {strides = array<i32>} : memref<32768xf32, #tpu.memory_space<vmem>>, vector<16xf32>,
            %get3A_337 = vector.shape_cast %get3A_336 : vector<16xf32> to vector<16xf32>
            %lt3A_338 = arith.cmpf olt, %get3A_337, %mul3A_207 : vector<16xf32>
            %select_n3A_339 = arith.select %lt3A_338, %get3A_337, %sub3A_15 : vector<16xi1>, vector<16xf32>
            %max3A_340 = arith.maximumf %while3A_332, %select_n3A_339 : vector<16xf32>
            scf.yield %max3A_340 : vector<16xf32>
          }
          %swap3A_219 = arith.constant 16 : index
          %swap3A_220 = tpu.vector_load %arg6[%swap3A_219] {strides = array<i32>} : memref<48xf32, #tpu.memory_space<vmem>>, vector<16xf32>,
          %swap3A_221 = vector.shape_cast %swap3A_220 : vector<16xf32> to vector<16xf32>
          %swap3A_222 = vector.shape_cast %while3A_218 : vector<16xf32> to vector<16xf32>
          tpu.vector_store %arg6[%swap3A_219], %swap3A_222 {strides = array<i32>} : memref<48xf32, #tpu.memory_space<vmem>>, vector<16xf32>,
          %get3A_223 = arith.constant 15 : index
          %get3A_224 = tpu.vector_load %arg6[%get3A_223] {strides = array<i32>} : memref<48xf32, #tpu.memory_space<vmem>>, vector<16xf32>,
          %get3A_225 = vector.shape_cast %get3A_224 : vector<16xf32> to vector<16xf32>
          %ge3A_226 = arith.constant 1 : i32
          %ge3A_227 = vector.broadcast %ge3A_226 : i32 to vector<16xi32>
          %ge3A_228 = arith.cmpi sge, %iota3A, %ge3A_227 : vector<16xi32>
          %select_n3A_229 = arith.select %ge3A_228, %get3A_225, %sub3A_15 : vector<16xi1>, vector<16xf32>
          %max3A_230 = arith.maximumf %while3A_218, %select_n3A_229 : vector<16xf32>
          %swap3A_231 = arith.constant 16 : index
          %swap3A_232 = tpu.vector_load %arg6[%swap3A_231] {strides = array<i32>} : memref<48xf32, #tpu.memory_space<vmem>>, vector<16xf32>,
          %swap3A_233 = vector.shape_cast %swap3A_232 : vector<16xf32> to vector<16xf32>
          %swap3A_234 = vector.shape_cast %max3A_230 : vector<16xf32> to vector<16xf32>
          tpu.vector_store %arg6[%swap3A_231], %swap3A_234 {strides = array<i32>} : memref<48xf32, #tpu.memory_space<vmem>>, vector<16xf32>,
          %get3A_235 = arith.constant 14 : index
          %get3A_236 = tpu.vector_load %arg6[%get3A_235] {strides = array<i32>} : memref<48xf32, #tpu.memory_space<vmem>>, vector<16xf32>,
          %get3A_237 = vector.shape_cast %get3A_236 : vector<16xf32> to vector<16xf32>
          %ge3A_238 = arith.constant 2 : i32
          %ge3A_239 = vector.broadcast %ge3A_238 : i32 to vector<16xi32>
          %ge3A_240 = arith.cmpi sge, %iota3A, %ge3A_239 : vector<16xi32>
          %select_n3A_241 = arith.select %ge3A_240, %get3A_237, %sub3A_15 : vector<16xi1>, vector<16xf32>
          %max3A_242 = arith.maximumf %max3A_230, %select_n3A_241 : vector<16xf32>
          %swap3A_243 = arith.constant 16 : index
          %swap3A_244 = tpu.vector_load %arg6[%swap3A_243] {strides = array<i32>} : memref<48xf32, #tpu.memory_space<vmem>>, vector<16xf32>,
          %swap3A_245 = vector.shape_cast %swap3A_244 : vector<16xf32> to vector<16xf32>
          %swap3A_246 = vector.shape_cast %max3A_242 : vector<16xf32> to vector<16xf32>
          tpu.vector_store %arg6[%swap3A_243], %swap3A_246 {strides = array<i32>} : memref<48xf32, #tpu.memory_space<vmem>>, vector<16xf32>,
          %get3A_247 = arith.constant 12 : index
          %get3A_248 = tpu.vector_load %arg6[%get3A_247] {strides = array<i32>} : memref<48xf32, #tpu.memory_space<vmem>>, vector<16xf32>,
          %get3A_249 = vector.shape_cast %get3A_248 : vector<16xf32> to vector<16xf32>
          %ge3A_250 = arith.constant 4 : i32
          %ge3A_251 = vector.broadcast %ge3A_250 : i32 to vector<16xi32>
          %ge3A_252 = arith.cmpi sge, %iota3A, %ge3A_251 : vector<16xi32>
          %select_n3A_253 = arith.select %ge3A_252, %get3A_249, %sub3A_15 : vector<16xi1>, vector<16xf32>
          %max3A_254 = arith.maximumf %max3A_242, %select_n3A_253 : vector<16xf32>
          %swap3A_255 = arith.constant 16 : index
          %swap3A_256 = tpu.vector_load %arg6[%swap3A_255] {strides = array<i32>} : memref<48xf32, #tpu.memory_space<vmem>>, vector<16xf32>,
          %swap3A_257 = vector.shape_cast %swap3A_256 : vector<16xf32> to vector<16xf32>
          %swap3A_258 = vector.shape_cast %max3A_254 : vector<16xf32> to vector<16xf32>
          tpu.vector_store %arg6[%swap3A_255], %swap3A_258 {strides = array<i32>} : memref<48xf32, #tpu.memory_space<vmem>>, vector<16xf32>,
          %get3A_259 = arith.constant 8 : index
          %get3A_260 = tpu.vector_load %arg6[%get3A_259] {strides = array<i32>} : memref<48xf32, #tpu.memory_space<vmem>>, vector<16xf32>,
          %get3A_261 = vector.shape_cast %get3A_260 : vector<16xf32> to vector<16xf32>
          %ge3A_262 = arith.constant 8 : i32
          %ge3A_263 = vector.broadcast %ge3A_262 : i32 to vector<16xi32>
          %ge3A_264 = arith.cmpi sge, %iota3A, %ge3A_263 : vector<16xi32>
          %select_n3A_265 = arith.select %ge3A_264, %get3A_261, %sub3A_15 : vector<16xi1>, vector<16xf32>
          %max3A_266 = arith.maximumf %max3A_254, %select_n3A_265 : vector<16xf32>
          %swap3A_267 = arith.constant 16 : index
          %swap3A_268 = tpu.vector_load %arg6[%swap3A_267] {strides = array<i32>} : memref<48xf32, #tpu.memory_space<vmem>>, vector<16xf32>,
          %swap3A_269 = vector.shape_cast %swap3A_268 : vector<16xf32> to vector<16xf32>
          %swap3A_270 = vector.shape_cast %max3A_266 : vector<16xf32> to vector<16xf32>
          tpu.vector_store %arg6[%swap3A_267], %swap3A_270 {strides = array<i32>} : memref<48xf32, #tpu.memory_space<vmem>>, vector<16xf32>,
          %get3A_271 = arith.constant 16 : index
          %get3A_272 = tpu.vector_load %arg6[%get3A_271] {strides = array<i32>} : memref<48xf32, #tpu.memory_space<vmem>>, vector<16xf32>,
          %get3A_273 = vector.shape_cast %get3A_272 : vector<16xf32> to vector<16xf32>
          %slice3A_274 = vector.extract_strided_slice %get3A_273 {offsets = [15], sizes = [1], strides = [1]} : vector<16xf32> to vector<1xf32>
          %squeeze3A_275 = vector.extract %slice3A_274[0] : f32 from vector<1xf32>
          %mul3A_276 = vector.broadcast %squeeze3A_275 : f32 to vector<16xf32>
          %mul3A_277 = arith.mulf %mul3A_276, %add3A_13 : vector<16xf32>
          %while3A_278 = arith.constant 0 : i32
          %while3A_279 = arith.subi %while3A_175, %while3A_278 : i32
          %while3A_280 = arith.addi %while3A_278, %while3A_279 : i32
          %while3A_281 = arith.constant 1 : i32
          %while3A_282 = arith.divsi %while3A_279, %while3A_281 : i32
          %while3A_283 = arith.muli %while3A_282, %while3A_281 : i32
          %while3A_284 = arith.addi %while3A_278, %while3A_283 : i32
          %while3A_285 = arith.constant 1 : i32
          %while3A_286 = scf.for %while3A_331 = %while3A_278 to %while3A_284 step %while3A_285 iter_args(%while3A_332 = %mul3A_9) -> (vector<16xi32>)  : i32 {
            %mul3A_333 = arith.constant 16 : i32
            %mul3A_334 = arith.muli %while3A_331, %mul3A_333 : i32
            %get3A_335 = arith.index_cast %mul3A_334 : i32 to index
            %get3A_336 = tpu.vector_load %arg7[%get3A_335] {strides = array<i32>} : memref<32768xf32, #tpu.memory_space<vmem>>, vector<16xf32>,
            %get3A_337 = vector.shape_cast %get3A_336 : vector<16xf32> to vector<16xf32>
            %eq3A = arith.cmpf oeq, %get3A_337, %mul3A_277 : vector<16xf32>
            %select_n3A_338 = arith.select %eq3A, %add3A_6, %mul3A_9 : vector<16xi1>, vector<16xi32>
            %add3A_339 = arith.addi %while3A_332, %select_n3A_338 : vector<16xi32>
            scf.yield %add3A_339 : vector<16xi32>
          }
          %while3A_287 = arith.constant 1 : i32
          %while3A_288 = scf.for %while3A_331 = %while3A_284 to %while3A_280 step %while3A_287 iter_args(%while3A_332 = %while3A_286) -> (vector<16xi32>)  : i32 {
            %mul3A_333 = arith.constant 16 : i32
            %mul3A_334 = arith.muli %while3A_331, %mul3A_333 : i32
            %get3A_335 = arith.index_cast %mul3A_334 : i32 to index
            %get3A_336 = tpu.vector_load %arg7[%get3A_335] {strides = array<i32>} : memref<32768xf32, #tpu.memory_space<vmem>>, vector<16xf32>,
            %get3A_337 = vector.shape_cast %get3A_336 : vector<16xf32> to vector<16xf32>
            %eq3A = arith.cmpf oeq, %get3A_337, %mul3A_277 : vector<16xf32>
            %select_n3A_338 = arith.select %eq3A, %add3A_6, %mul3A_9 : vector<16xi1>, vector<16xi32>
            %add3A_339 = arith.addi %while3A_332, %select_n3A_338 : vector<16xi32>
            scf.yield %add3A_339 : vector<16xi32>
          }
          %swap3A_289 = arith.constant 16 : index
          %swap3A_290 = tpu.vector_load %arg5[%swap3A_289] {strides = array<i32>} : memref<48xi32, #tpu.memory_space<vmem>>, vector<16xi32>,
          %swap3A_291 = vector.shape_cast %swap3A_290 : vector<16xi32> to vector<16xi32>
          %swap3A_292 = vector.shape_cast %while3A_288 : vector<16xi32> to vector<16xi32>
          tpu.vector_store %arg5[%swap3A_289], %swap3A_292 {strides = array<i32>} : memref<48xi32, #tpu.memory_space<vmem>>, vector<16xi32>,
          %get3A_293 = arith.constant 15 : index
          %get3A_294 = tpu.vector_load %arg5[%get3A_293] {strides = array<i32>} : memref<48xi32, #tpu.memory_space<vmem>>, vector<16xi32>,
          %get3A_295 = vector.shape_cast %get3A_294 : vector<16xi32> to vector<16xi32>
          %add3A_296 = arith.addi %while3A_288, %get3A_295 : vector<16xi32>
          %swap3A_297 = arith.constant 16 : index
          %swap3A_298 = tpu.vector_load %arg5[%swap3A_297] {strides = array<i32>} : memref<48xi32, #tpu.memory_space<vmem>>, vector<16xi32>,
          %swap3A_299 = vector.shape_cast %swap3A_298 : vector<16xi32> to vector<16xi32>
          %swap3A_300 = vector.shape_cast %add3A_296 : vector<16xi32> to vector<16xi32>
          tpu.vector_store %arg5[%swap3A_297], %swap3A_300 {strides = array<i32>} : memref<48xi32, #tpu.memory_space<vmem>>, vector<16xi32>,
          %get3A_301 = arith.constant 14 : index
          %get3A_302 = tpu.vector_load %arg5[%get3A_301] {strides = array<i32>} : memref<48xi32, #tpu.memory_space<vmem>>, vector<16xi32>,
          %get3A_303 = vector.shape_cast %get3A_302 : vector<16xi32> to vector<16xi32>
          %add3A_304 = arith.addi %add3A_296, %get3A_303 : vector<16xi32>
          %swap3A_305 = arith.constant 16 : index
          %swap3A_306 = tpu.vector_load %arg5[%swap3A_305] {strides = array<i32>} : memref<48xi32, #tpu.memory_space<vmem>>, vector<16xi32>,
          %swap3A_307 = vector.shape_cast %swap3A_306 : vector<16xi32> to vector<16xi32>
          %swap3A_308 = vector.shape_cast %add3A_304 : vector<16xi32> to vector<16xi32>
          tpu.vector_store %arg5[%swap3A_305], %swap3A_308 {strides = array<i32>} : memref<48xi32, #tpu.memory_space<vmem>>, vector<16xi32>,
          %get3A_309 = arith.constant 12 : index
          %get3A_310 = tpu.vector_load %arg5[%get3A_309] {strides = array<i32>} : memref<48xi32, #tpu.memory_space<vmem>>, vector<16xi32>,
          %get3A_311 = vector.shape_cast %get3A_310 : vector<16xi32> to vector<16xi32>
          %add3A_312 = arith.addi %add3A_304, %get3A_311 : vector<16xi32>
          %swap3A_313 = arith.constant 16 : index
          %swap3A_314 = tpu.vector_load %arg5[%swap3A_313] {strides = array<i32>} : memref<48xi32, #tpu.memory_space<vmem>>, vector<16xi32>,
          %swap3A_315 = vector.shape_cast %swap3A_314 : vector<16xi32> to vector<16xi32>
          %swap3A_316 = vector.shape_cast %add3A_312 : vector<16xi32> to vector<16xi32>
          tpu.vector_store %arg5[%swap3A_313], %swap3A_316 {strides = array<i32>} : memref<48xi32, #tpu.memory_space<vmem>>, vector<16xi32>,
          %get3A_317 = arith.constant 8 : index
          %get3A_318 = tpu.vector_load %arg5[%get3A_317] {strides = array<i32>} : memref<48xi32, #tpu.memory_space<vmem>>, vector<16xi32>,
          %get3A_319 = vector.shape_cast %get3A_318 : vector<16xi32> to vector<16xi32>
          %add3A_320 = arith.addi %add3A_312, %get3A_319 : vector<16xi32>
          %swap3A_321 = arith.constant 16 : index
          %swap3A_322 = tpu.vector_load %arg5[%swap3A_321] {strides = array<i32>} : memref<48xi32, #tpu.memory_space<vmem>>, vector<16xi32>,
          %swap3A_323 = vector.shape_cast %swap3A_322 : vector<16xi32> to vector<16xi32>
          %swap3A_324 = vector.shape_cast %add3A_320 : vector<16xi32> to vector<16xi32>
          tpu.vector_store %arg5[%swap3A_321], %swap3A_324 {strides = array<i32>} : memref<48xi32, #tpu.memory_space<vmem>>, vector<16xi32>,
          %get3A_325 = arith.constant 16 : index
          %get3A_326 = tpu.vector_load %arg5[%get3A_325] {strides = array<i32>} : memref<48xi32, #tpu.memory_space<vmem>>, vector<16xi32>,
          %get3A_327 = vector.shape_cast %get3A_326 : vector<16xi32> to vector<16xi32>
          %slice3A_328 = vector.extract_strided_slice %get3A_327 {offsets = [15], sizes = [1], strides = [1]} : vector<16xi32> to vector<1xi32>
          %squeeze3A_329 = vector.extract %slice3A_328[0] : i32 from vector<1xi32>
          %add3A_330 = arith.addi %scan3A_200, %squeeze3A_329 : i32
          scf.yield %squeeze3A_275, %add3A_330, %scan3A_200, %squeeze3A_275 : f32, i32, i32, f32
        } else {
          scf.yield %scan3A_199, %scan3A_200, %scan3A_201, %scan3A_202 : f32, i32, i32, f32
        }
        scf.yield %cond3A_205#0, %cond3A_205#1, %cond3A_205#2, %cond3A_205#3 : f32, i32, i32, f32
      }
      %scan3A_185 = arith.constant 50 : i32
      %sub3A_186 = arith.constant 50 : i32
      %sub3A_187 = arith.subi %sub3A_186, %scan3A_184#2 : i32
      %mul3A_188 = vector.broadcast %scan3A_184#3 : f32 to vector<16xf32>
      %mul3A_189 = arith.mulf %mul3A_188, %add3A_13 : vector<16xf32>
      %scan3A_190 = arith.constant 0 : i32
      %scan3A_191 = arith.constant 0 : i32
      %scan3A_192 = arith.constant 128 : i32
      %scan3A_193 = arith.addi %scan3A_191, %scan3A_192 : i32
      %scan3A_194 = arith.constant 1 : i32
      %scan3A_195 = scf.for %scan3A_198 = %scan3A_191 to %scan3A_193 step %scan3A_194 iter_args(%scan3A_199 = %scan3A_190) -> (i32)  : i32 {
        %mul3A_200 = arith.constant 256 : i32
        %mul3A_201 = arith.muli %scan3A_198, %mul3A_200 : i32
        %add3A_202 = arith.constant 0 : i32
        %add3A_203 = arith.addi %mul3A_201, %add3A_202 : i32
        %get3A_204 = arith.index_cast %add3A_203 : i32 to index
        %get3A_205 = tpu.vector_load %arg4[%get3A_204] {strides = array<i32>} : memref<32768xf32, #tpu.memory_space<vmem>>, vector<16xf32>,
        %get3A_206 = vector.shape_cast %get3A_205 : vector<16xf32> to vector<16xf32>
        %eq3A = arith.cmpf oeq, %get3A_206, %mul3A_189 : vector<16xf32>
        %add3A_207 = arith.constant 16 : i32
        %add3A_208 = arith.addi %mul3A_201, %add3A_207 : i32
        %get3A_209 = arith.index_cast %add3A_208 : i32 to index
        %get3A_210 = tpu.vector_load %arg4[%get3A_209] {strides = array<i32>} : memref<32768xf32, #tpu.memory_space<vmem>>, vector<16xf32>,
        %get3A_211 = vector.shape_cast %get3A_210 : vector<16xf32> to vector<16xf32>
        %eq3A_212 = arith.cmpf oeq, %get3A_211, %mul3A_189 : vector<16xf32>
        %or3A = arith.ori %eq3A, %eq3A_212 : vector<16xi1>
        %add3A_213 = arith.constant 32 : i32
        %add3A_214 = arith.addi %mul3A_201, %add3A_213 : i32
        %get3A_215 = arith.index_cast %add3A_214 : i32 to index
        %get3A_216 = tpu.vector_load %arg4[%get3A_215] {strides = array<i32>} : memref<32768xf32, #tpu.memory_space<vmem>>, vector<16xf32>,
        %get3A_217 = vector.shape_cast %get3A_216 : vector<16xf32> to vector<16xf32>
        %eq3A_218 = arith.cmpf oeq, %get3A_217, %mul3A_189 : vector<16xf32>
        %or3A_219 = arith.ori %or3A, %eq3A_218 : vector<16xi1>
        %add3A_220 = arith.constant 48 : i32
        %add3A_221 = arith.addi %mul3A_201, %add3A_220 : i32
        %get3A_222 = arith.index_cast %add3A_221 : i32 to index
        %get3A_223 = tpu.vector_load %arg4[%get3A_222] {strides = array<i32>} : memref<32768xf32, #tpu.memory_space<vmem>>, vector<16xf32>,
        %get3A_224 = vector.shape_cast %get3A_223 : vector<16xf32> to vector<16xf32>
        %eq3A_225 = arith.cmpf oeq, %get3A_224, %mul3A_189 : vector<16xf32>
        %or3A_226 = arith.ori %or3A_219, %eq3A_225 : vector<16xi1>
        %add3A_227 = arith.constant 64 : i32
        %add3A_228 = arith.addi %mul3A_201, %add3A_227 : i32
        %get3A_229 = arith.index_cast %add3A_228 : i32 to index
        %get3A_230 = tpu.vector_load %arg4[%get3A_229] {strides = array<i32>} : memref<32768xf32, #tpu.memory_space<vmem>>, vector<16xf32>,
        %get3A_231 = vector.shape_cast %get3A_230 : vector<16xf32> to vector<16xf32>
        %eq3A_232 = arith.cmpf oeq, %get3A_231, %mul3A_189 : vector<16xf32>
        %or3A_233 = arith.ori %or3A_226, %eq3A_232 : vector<16xi1>
        %add3A_234 = arith.constant 80 : i32
        %add3A_235 = arith.addi %mul3A_201, %add3A_234 : i32
        %get3A_236 = arith.index_cast %add3A_235 : i32 to index
        %get3A_237 = tpu.vector_load %arg4[%get3A_236] {strides = array<i32>} : memref<32768xf32, #tpu.memory_space<vmem>>, vector<16xf32>,
        %get3A_238 = vector.shape_cast %get3A_237 : vector<16xf32> to vector<16xf32>
        %eq3A_239 = arith.cmpf oeq, %get3A_238, %mul3A_189 : vector<16xf32>
        %or3A_240 = arith.ori %or3A_233, %eq3A_239 : vector<16xi1>
        %add3A_241 = arith.constant 96 : i32
        %add3A_242 = arith.addi %mul3A_201, %add3A_241 : i32
        %get3A_243 = arith.index_cast %add3A_242 : i32 to index
        %get3A_244 = tpu.vector_load %arg4[%get3A_243] {strides = array<i32>} : memref<32768xf32, #tpu.memory_space<vmem>>, vector<16xf32>,
        %get3A_245 = vector.shape_cast %get3A_244 : vector<16xf32> to vector<16xf32>
        %eq3A_246 = arith.cmpf oeq, %get3A_245, %mul3A_189 : vector<16xf32>
        %or3A_247 = arith.ori %or3A_240, %eq3A_246 : vector<16xi1>
        %add3A_248 = arith.constant 112 : i32
        %add3A_249 = arith.addi %mul3A_201, %add3A_248 : i32
        %get3A_250 = arith.index_cast %add3A_249 : i32 to index
        %get3A_251 = tpu.vector_load %arg4[%get3A_250] {strides = array<i32>} : memref<32768xf32, #tpu.memory_space<vmem>>, vector<16xf32>,
        %get3A_252 = vector.shape_cast %get3A_251 : vector<16xf32> to vector<16xf32>
        %eq3A_253 = arith.cmpf oeq, %get3A_252, %mul3A_189 : vector<16xf32>
        %or3A_254 = arith.ori %or3A_247, %eq3A_253 : vector<16xi1>
        %add3A_255 = arith.constant 128 : i32
        %add3A_256 = arith.addi %mul3A_201, %add3A_255 : i32
        %get3A_257 = arith.index_cast %add3A_256 : i32 to index
        %get3A_258 = tpu.vector_load %arg4[%get3A_257] {strides = array<i32>} : memref<32768xf32, #tpu.memory_space<vmem>>, vector<16xf32>,
        %get3A_259 = vector.shape_cast %get3A_258 : vector<16xf32> to vector<16xf32>
        %eq3A_260 = arith.cmpf oeq, %get3A_259, %mul3A_189 : vector<16xf32>
        %or3A_261 = arith.ori %or3A_254, %eq3A_260 : vector<16xi1>
        %add3A_262 = arith.constant 144 : i32
        %add3A_263 = arith.addi %mul3A_201, %add3A_262 : i32
        %get3A_264 = arith.index_cast %add3A_263 : i32 to index
        %get3A_265 = tpu.vector_load %arg4[%get3A_264] {strides = array<i32>} : memref<32768xf32, #tpu.memory_space<vmem>>, vector<16xf32>,
        %get3A_266 = vector.shape_cast %get3A_265 : vector<16xf32> to vector<16xf32>
        %eq3A_267 = arith.cmpf oeq, %get3A_266, %mul3A_189 : vector<16xf32>
        %or3A_268 = arith.ori %or3A_261, %eq3A_267 : vector<16xi1>
        %add3A_269 = arith.constant 160 : i32
        %add3A_270 = arith.addi %mul3A_201, %add3A_269 : i32
        %get3A_271 = arith.index_cast %add3A_270 : i32 to index
        %get3A_272 = tpu.vector_load %arg4[%get3A_271] {strides = array<i32>} : memref<32768xf32, #tpu.memory_space<vmem>>, vector<16xf32>,
        %get3A_273 = vector.shape_cast %get3A_272 : vector<16xf32> to vector<16xf32>
        %eq3A_274 = arith.cmpf oeq, %get3A_273, %mul3A_189 : vector<16xf32>
        %or3A_275 = arith.ori %or3A_268, %eq3A_274 : vector<16xi1>
        %add3A_276 = arith.constant 176 : i32
        %add3A_277 = arith.addi %mul3A_201, %add3A_276 : i32
        %get3A_278 = arith.index_cast %add3A_277 : i32 to index
        %get3A_279 = tpu.vector_load %arg4[%get3A_278] {strides = array<i32>} : memref<32768xf32, #tpu.memory_space<vmem>>, vector<16xf32>,
        %get3A_280 = vector.shape_cast %get3A_279 : vector<16xf32> to vector<16xf32>
        %eq3A_281 = arith.cmpf oeq, %get3A_280, %mul3A_189 : vector<16xf32>
        %or3A_282 = arith.ori %or3A_275, %eq3A_281 : vector<16xi1>
        %add3A_283 = arith.constant 192 : i32
        %add3A_284 = arith.addi %mul3A_201, %add3A_283 : i32
        %get3A_285 = arith.index_cast %add3A_284 : i32 to index
        %get3A_286 = tpu.vector_load %arg4[%get3A_285] {strides = array<i32>} : memref<32768xf32, #tpu.memory_space<vmem>>, vector<16xf32>,
        %get3A_287 = vector.shape_cast %get3A_286 : vector<16xf32> to vector<16xf32>
        %eq3A_288 = arith.cmpf oeq, %get3A_287, %mul3A_189 : vector<16xf32>
        %or3A_289 = arith.ori %or3A_282, %eq3A_288 : vector<16xi1>
        %add3A_290 = arith.constant 208 : i32
        %add3A_291 = arith.addi %mul3A_201, %add3A_290 : i32
        %get3A_292 = arith.index_cast %add3A_291 : i32 to index
        %get3A_293 = tpu.vector_load %arg4[%get3A_292] {strides = array<i32>} : memref<32768xf32, #tpu.memory_space<vmem>>, vector<16xf32>,
        %get3A_294 = vector.shape_cast %get3A_293 : vector<16xf32> to vector<16xf32>
        %eq3A_295 = arith.cmpf oeq, %get3A_294, %mul3A_189 : vector<16xf32>
        %or3A_296 = arith.ori %or3A_289, %eq3A_295 : vector<16xi1>
        %add3A_297 = arith.constant 224 : i32
        %add3A_298 = arith.addi %mul3A_201, %add3A_297 : i32
        %get3A_299 = arith.index_cast %add3A_298 : i32 to index
        %get3A_300 = tpu.vector_load %arg4[%get3A_299] {strides = array<i32>} : memref<32768xf32, #tpu.memory_space<vmem>>, vector<16xf32>,
        %get3A_301 = vector.shape_cast %get3A_300 : vector<16xf32> to vector<16xf32>
        %eq3A_302 = arith.cmpf oeq, %get3A_301, %mul3A_189 : vector<16xf32>
        %or3A_303 = arith.ori %or3A_296, %eq3A_302 : vector<16xi1>
        %add3A_304 = arith.constant 240 : i32
        %add3A_305 = arith.addi %mul3A_201, %add3A_304 : i32
        %get3A_306 = arith.index_cast %add3A_305 : i32 to index
        %get3A_307 = tpu.vector_load %arg4[%get3A_306] {strides = array<i32>} : memref<32768xf32, #tpu.memory_space<vmem>>, vector<16xf32>,
        %get3A_308 = vector.shape_cast %get3A_307 : vector<16xf32> to vector<16xf32>
        %eq3A_309 = arith.cmpf oeq, %get3A_308, %mul3A_189 : vector<16xf32>
        %or3A_310 = arith.ori %or3A_303, %eq3A_309 : vector<16xi1>
        %select_n3A_311 = arith.select %or3A_310, %add3A_6, %mul3A_9 : vector<16xi1>, vector<16xi32>
        %swap3A_312 = arith.constant 16 : index
        %swap3A_313 = tpu.vector_load %arg5[%swap3A_312] {strides = array<i32>} : memref<48xi32, #tpu.memory_space<vmem>>, vector<16xi32>,
        %swap3A_314 = vector.shape_cast %swap3A_313 : vector<16xi32> to vector<16xi32>
        %swap3A_315 = vector.shape_cast %select_n3A_311 : vector<16xi32> to vector<16xi32>
        tpu.vector_store %arg5[%swap3A_312], %swap3A_315 {strides = array<i32>} : memref<48xi32, #tpu.memory_space<vmem>>, vector<16xi32>,
        %get3A_316 = arith.constant 15 : index
        %get3A_317 = tpu.vector_load %arg5[%get3A_316] {strides = array<i32>} : memref<48xi32, #tpu.memory_space<vmem>>, vector<16xi32>,
        %get3A_318 = vector.shape_cast %get3A_317 : vector<16xi32> to vector<16xi32>
        %add3A_319 = arith.addi %select_n3A_311, %get3A_318 : vector<16xi32>
        %swap3A_320 = arith.constant 16 : index
        %swap3A_321 = tpu.vector_load %arg5[%swap3A_320] {strides = array<i32>} : memref<48xi32, #tpu.memory_space<vmem>>, vector<16xi32>,
        %swap3A_322 = vector.shape_cast %swap3A_321 : vector<16xi32> to vector<16xi32>
        %swap3A_323 = vector.shape_cast %add3A_319 : vector<16xi32> to vector<16xi32>
        tpu.vector_store %arg5[%swap3A_320], %swap3A_323 {strides = array<i32>} : memref<48xi32, #tpu.memory_space<vmem>>, vector<16xi32>,
        %get3A_324 = arith.constant 14 : index
        %get3A_325 = tpu.vector_load %arg5[%get3A_324] {strides = array<i32>} : memref<48xi32, #tpu.memory_space<vmem>>, vector<16xi32>,
        %get3A_326 = vector.shape_cast %get3A_325 : vector<16xi32> to vector<16xi32>
        %add3A_327 = arith.addi %add3A_319, %get3A_326 : vector<16xi32>
        %swap3A_328 = arith.constant 16 : index
        %swap3A_329 = tpu.vector_load %arg5[%swap3A_328] {strides = array<i32>} : memref<48xi32, #tpu.memory_space<vmem>>, vector<16xi32>,
        %swap3A_330 = vector.shape_cast %swap3A_329 : vector<16xi32> to vector<16xi32>
        %swap3A_331 = vector.shape_cast %add3A_327 : vector<16xi32> to vector<16xi32>
        tpu.vector_store %arg5[%swap3A_328], %swap3A_331 {strides = array<i32>} : memref<48xi32, #tpu.memory_space<vmem>>, vector<16xi32>,
        %get3A_332 = arith.constant 12 : index
        %get3A_333 = tpu.vector_load %arg5[%get3A_332] {strides = array<i32>} : memref<48xi32, #tpu.memory_space<vmem>>, vector<16xi32>,
        %get3A_334 = vector.shape_cast %get3A_333 : vector<16xi32> to vector<16xi32>
        %add3A_335 = arith.addi %add3A_327, %get3A_334 : vector<16xi32>
        %swap3A_336 = arith.constant 16 : index
        %swap3A_337 = tpu.vector_load %arg5[%swap3A_336] {strides = array<i32>} : memref<48xi32, #tpu.memory_space<vmem>>, vector<16xi32>,
        %swap3A_338 = vector.shape_cast %swap3A_337 : vector<16xi32> to vector<16xi32>
        %swap3A_339 = vector.shape_cast %add3A_335 : vector<16xi32> to vector<16xi32>
        tpu.vector_store %arg5[%swap3A_336], %swap3A_339 {strides = array<i32>} : memref<48xi32, #tpu.memory_space<vmem>>, vector<16xi32>,
        %get3A_340 = arith.constant 8 : index
        %get3A_341 = tpu.vector_load %arg5[%get3A_340] {strides = array<i32>} : memref<48xi32, #tpu.memory_space<vmem>>, vector<16xi32>,
        %get3A_342 = vector.shape_cast %get3A_341 : vector<16xi32> to vector<16xi32>
        %add3A_343 = arith.addi %add3A_335, %get3A_342 : vector<16xi32>
        %swap3A_344 = arith.constant 16 : index
        %swap3A_345 = tpu.vector_load %arg5[%swap3A_344] {strides = array<i32>} : memref<48xi32, #tpu.memory_space<vmem>>, vector<16xi32>,
        %swap3A_346 = vector.shape_cast %swap3A_345 : vector<16xi32> to vector<16xi32>
        %swap3A_347 = vector.shape_cast %add3A_343 : vector<16xi32> to vector<16xi32>
        tpu.vector_store %arg5[%swap3A_344], %swap3A_347 {strides = array<i32>} : memref<48xi32, #tpu.memory_space<vmem>>, vector<16xi32>,
        %get3A_348 = arith.constant 16 : index
        %get3A_349 = tpu.vector_load %arg5[%get3A_348] {strides = array<i32>} : memref<48xi32, #tpu.memory_space<vmem>>, vector<16xi32>,
        %get3A_350 = vector.shape_cast %get3A_349 : vector<16xi32> to vector<16xi32>
        %slice3A_351 = vector.extract_strided_slice %get3A_350 {offsets = [15], sizes = [1], strides = [1]} : vector<16xi32> to vector<1xi32>
        %squeeze3A_352 = vector.extract %slice3A_351[0] : i32 from vector<1xi32>
        %gt3A = arith.constant 0 : i32
        %gt3A_353 = arith.cmpi sgt, %squeeze3A_352, %gt3A : i32
        %convert_element_type3A = arith.extui %gt3A_353 : i1 to i32
        %cond3A = arith.constant 0 : i32
        %cond3A_354 = arith.cmpi ne, %convert_element_type3A, %cond3A : i32
        %cond3A_355 = scf.if %cond3A_354 -> (i32) {
          %scan3A_356 = arith.constant 0 : i32
          %scan3A_357 = arith.constant 16 : i32
          %scan3A_358 = arith.addi %scan3A_356, %scan3A_357 : i32
          %scan3A_359 = arith.constant 1 : i32
          %scan3A_360 = scf.for %scan3A_362 = %scan3A_356 to %scan3A_358 step %scan3A_359 iter_args(%scan3A_363 = %scan3A_199) -> (i32)  : i32 {
            %mul3A_364 = arith.constant 16 : i32
            %mul3A_365 = arith.muli %scan3A_362, %mul3A_364 : i32
            %add3A_366 = arith.addi %mul3A_201, %mul3A_365 : i32
            %get3A_367 = arith.index_cast %add3A_366 : i32 to index
            %get3A_368 = tpu.vector_load %arg4[%get3A_367] {strides = array<i32>} : memref<32768xf32, #tpu.memory_space<vmem>>, vector<16xf32>,
            %get3A_369 = vector.shape_cast %get3A_368 : vector<16xf32> to vector<16xf32>
            %gt3A_370 = arith.cmpf ogt, %get3A_369, %mul3A_189 : vector<16xf32>
            %eq3A_371 = arith.cmpf oeq, %get3A_369, %mul3A_189 : vector<16xf32>
            %select_n3A_372 = arith.select %eq3A_371, %add3A_6, %mul3A_9 : vector<16xi1>, vector<16xi32>
            %swap3A_373 = arith.constant 16 : index
            %swap3A_374 = tpu.vector_load %arg5[%swap3A_373] {strides = array<i32>} : memref<48xi32, #tpu.memory_space<vmem>>, vector<16xi32>,
            %swap3A_375 = vector.shape_cast %swap3A_374 : vector<16xi32> to vector<16xi32>
            %swap3A_376 = vector.shape_cast %select_n3A_372 : vector<16xi32> to vector<16xi32>
            tpu.vector_store %arg5[%swap3A_373], %swap3A_376 {strides = array<i32>} : memref<48xi32, #tpu.memory_space<vmem>>, vector<16xi32>,
            %get3A_377 = arith.constant 15 : index
            %get3A_378 = tpu.vector_load %arg5[%get3A_377] {strides = array<i32>} : memref<48xi32, #tpu.memory_space<vmem>>, vector<16xi32>,
            %get3A_379 = vector.shape_cast %get3A_378 : vector<16xi32> to vector<16xi32>
            %add3A_380 = arith.addi %select_n3A_372, %get3A_379 : vector<16xi32>
            %swap3A_381 = arith.constant 16 : index
            %swap3A_382 = tpu.vector_load %arg5[%swap3A_381] {strides = array<i32>} : memref<48xi32, #tpu.memory_space<vmem>>, vector<16xi32>,
            %swap3A_383 = vector.shape_cast %swap3A_382 : vector<16xi32> to vector<16xi32>
            %swap3A_384 = vector.shape_cast %add3A_380 : vector<16xi32> to vector<16xi32>
            tpu.vector_store %arg5[%swap3A_381], %swap3A_384 {strides = array<i32>} : memref<48xi32, #tpu.memory_space<vmem>>, vector<16xi32>,
            %get3A_385 = arith.constant 14 : index
            %get3A_386 = tpu.vector_load %arg5[%get3A_385] {strides = array<i32>} : memref<48xi32, #tpu.memory_space<vmem>>, vector<16xi32>,
            %get3A_387 = vector.shape_cast %get3A_386 : vector<16xi32> to vector<16xi32>
            %add3A_388 = arith.addi %add3A_380, %get3A_387 : vector<16xi32>
            %swap3A_389 = arith.constant 16 : index
            %swap3A_390 = tpu.vector_load %arg5[%swap3A_389] {strides = array<i32>} : memref<48xi32, #tpu.memory_space<vmem>>, vector<16xi32>,
            %swap3A_391 = vector.shape_cast %swap3A_390 : vector<16xi32> to vector<16xi32>
            %swap3A_392 = vector.shape_cast %add3A_388 : vector<16xi32> to vector<16xi32>
            tpu.vector_store %arg5[%swap3A_389], %swap3A_392 {strides = array<i32>} : memref<48xi32, #tpu.memory_space<vmem>>, vector<16xi32>,
            %get3A_393 = arith.constant 12 : index
            %get3A_394 = tpu.vector_load %arg5[%get3A_393] {strides = array<i32>} : memref<48xi32, #tpu.memory_space<vmem>>, vector<16xi32>,
            %get3A_395 = vector.shape_cast %get3A_394 : vector<16xi32> to vector<16xi32>
            %add3A_396 = arith.addi %add3A_388, %get3A_395 : vector<16xi32>
            %swap3A_397 = arith.constant 16 : index
            %swap3A_398 = tpu.vector_load %arg5[%swap3A_397] {strides = array<i32>} : memref<48xi32, #tpu.memory_space<vmem>>, vector<16xi32>,
            %swap3A_399 = vector.shape_cast %swap3A_398 : vector<16xi32> to vector<16xi32>
            %swap3A_400 = vector.shape_cast %add3A_396 : vector<16xi32> to vector<16xi32>
            tpu.vector_store %arg5[%swap3A_397], %swap3A_400 {strides = array<i32>} : memref<48xi32, #tpu.memory_space<vmem>>, vector<16xi32>,
            %get3A_401 = arith.constant 8 : index
            %get3A_402 = tpu.vector_load %arg5[%get3A_401] {strides = array<i32>} : memref<48xi32, #tpu.memory_space<vmem>>, vector<16xi32>,
            %get3A_403 = vector.shape_cast %get3A_402 : vector<16xi32> to vector<16xi32>
            %add3A_404 = arith.addi %add3A_396, %get3A_403 : vector<16xi32>
            %sub3A_405 = arith.subi %add3A_404, %select_n3A_372 : vector<16xi32>
            %mul3A_406 = vector.broadcast %scan3A_363 : i32 to vector<16xi32>
            %mul3A_407 = arith.muli %mul3A_406, %add3A_6 : vector<16xi32>
            %add3A_408 = arith.addi %sub3A_405, %mul3A_407 : vector<16xi32>
            %mul3A_409 = vector.broadcast %sub3A_187 : i32 to vector<16xi32>
            %mul3A_410 = arith.muli %mul3A_409, %add3A_6 : vector<16xi32>
            %lt3A = arith.cmpi slt, %add3A_408, %mul3A_410 : vector<16xi32>
            %and3A = arith.andi %eq3A_371, %lt3A : vector<16xi1>
            %or3A_411 = arith.ori %gt3A_370, %and3A : vector<16xi1>
            %select_n3A_412 = arith.select %or3A_411, %get3A_369, %broadcast_in_dim3A_10 : vector<16xi1>, vector<16xf32>
            %swap3A_413 = arith.index_cast %add3A_366 : i32 to index
            %swap3A_414 = tpu.vector_load %arg4[%swap3A_413] {strides = array<i32>} : memref<32768xf32, #tpu.memory_space<vmem>>, vector<16xf32>,
            %swap3A_415 = vector.shape_cast %swap3A_414 : vector<16xf32> to vector<16xf32>
            %swap3A_416 = vector.shape_cast %select_n3A_412 : vector<16xf32> to vector<16xf32>
            tpu.vector_store %arg4[%swap3A_413], %swap3A_416 {strides = array<i32>} : memref<32768xf32, #tpu.memory_space<vmem>>, vector<16xf32>,
            %swap3A_417 = arith.constant 16 : index
            %swap3A_418 = tpu.vector_load %arg5[%swap3A_417] {strides = array<i32>} : memref<48xi32, #tpu.memory_space<vmem>>, vector<16xi32>,
            %swap3A_419 = vector.shape_cast %swap3A_418 : vector<16xi32> to vector<16xi32>
            %swap3A_420 = vector.shape_cast %select_n3A_372 : vector<16xi32> to vector<16xi32>
            tpu.vector_store %arg5[%swap3A_417], %swap3A_420 {strides = array<i32>} : memref<48xi32, #tpu.memory_space<vmem>>, vector<16xi32>,
            %get3A_421 = arith.constant 15 : index
            %get3A_422 = tpu.vector_load %arg5[%get3A_421] {strides = array<i32>} : memref<48xi32, #tpu.memory_space<vmem>>, vector<16xi32>,
            %get3A_423 = vector.shape_cast %get3A_422 : vector<16xi32> to vector<16xi32>
            %add3A_424 = arith.addi %select_n3A_372, %get3A_423 : vector<16xi32>
            %swap3A_425 = arith.constant 16 : index
            %swap3A_426 = tpu.vector_load %arg5[%swap3A_425] {strides = array<i32>} : memref<48xi32, #tpu.memory_space<vmem>>, vector<16xi32>,
            %swap3A_427 = vector.shape_cast %swap3A_426 : vector<16xi32> to vector<16xi32>
            %swap3A_428 = vector.shape_cast %add3A_424 : vector<16xi32> to vector<16xi32>
            tpu.vector_store %arg5[%swap3A_425], %swap3A_428 {strides = array<i32>} : memref<48xi32, #tpu.memory_space<vmem>>, vector<16xi32>,
            %get3A_429 = arith.constant 14 : index
            %get3A_430 = tpu.vector_load %arg5[%get3A_429] {strides = array<i32>} : memref<48xi32, #tpu.memory_space<vmem>>, vector<16xi32>,
            %get3A_431 = vector.shape_cast %get3A_430 : vector<16xi32> to vector<16xi32>
            %add3A_432 = arith.addi %add3A_424, %get3A_431 : vector<16xi32>
            %swap3A_433 = arith.constant 16 : index
            %swap3A_434 = tpu.vector_load %arg5[%swap3A_433] {strides = array<i32>} : memref<48xi32, #tpu.memory_space<vmem>>, vector<16xi32>,
            %swap3A_435 = vector.shape_cast %swap3A_434 : vector<16xi32> to vector<16xi32>
            %swap3A_436 = vector.shape_cast %add3A_432 : vector<16xi32> to vector<16xi32>
            tpu.vector_store %arg5[%swap3A_433], %swap3A_436 {strides = array<i32>} : memref<48xi32, #tpu.memory_space<vmem>>, vector<16xi32>,
            %get3A_437 = arith.constant 12 : index
            %get3A_438 = tpu.vector_load %arg5[%get3A_437] {strides = array<i32>} : memref<48xi32, #tpu.memory_space<vmem>>, vector<16xi32>,
            %get3A_439 = vector.shape_cast %get3A_438 : vector<16xi32> to vector<16xi32>
            %add3A_440 = arith.addi %add3A_432, %get3A_439 : vector<16xi32>
            %swap3A_441 = arith.constant 16 : index
            %swap3A_442 = tpu.vector_load %arg5[%swap3A_441] {strides = array<i32>} : memref<48xi32, #tpu.memory_space<vmem>>, vector<16xi32>,
            %swap3A_443 = vector.shape_cast %swap3A_442 : vector<16xi32> to vector<16xi32>
            %swap3A_444 = vector.shape_cast %add3A_440 : vector<16xi32> to vector<16xi32>
            tpu.vector_store %arg5[%swap3A_441], %swap3A_444 {strides = array<i32>} : memref<48xi32, #tpu.memory_space<vmem>>, vector<16xi32>,
            %get3A_445 = arith.constant 8 : index
            %get3A_446 = tpu.vector_load %arg5[%get3A_445] {strides = array<i32>} : memref<48xi32, #tpu.memory_space<vmem>>, vector<16xi32>,
            %get3A_447 = vector.shape_cast %get3A_446 : vector<16xi32> to vector<16xi32>
            %add3A_448 = arith.addi %add3A_440, %get3A_447 : vector<16xi32>
            %swap3A_449 = arith.constant 16 : index
            %swap3A_450 = tpu.vector_load %arg5[%swap3A_449] {strides = array<i32>} : memref<48xi32, #tpu.memory_space<vmem>>, vector<16xi32>,
            %swap3A_451 = vector.shape_cast %swap3A_450 : vector<16xi32> to vector<16xi32>
            %swap3A_452 = vector.shape_cast %add3A_448 : vector<16xi32> to vector<16xi32>
            tpu.vector_store %arg5[%swap3A_449], %swap3A_452 {strides = array<i32>} : memref<48xi32, #tpu.memory_space<vmem>>, vector<16xi32>,
            %get3A_453 = arith.constant 16 : index
            %get3A_454 = tpu.vector_load %arg5[%get3A_453] {strides = array<i32>} : memref<48xi32, #tpu.memory_space<vmem>>, vector<16xi32>,
            %get3A_455 = vector.shape_cast %get3A_454 : vector<16xi32> to vector<16xi32>
            %slice3A_456 = vector.extract_strided_slice %get3A_455 {offsets = [15], sizes = [1], strides = [1]} : vector<16xi32> to vector<1xi32>
            %squeeze3A_457 = vector.extract %slice3A_456[0] : i32 from vector<1xi32>
            %add3A_458 = arith.addi %scan3A_363, %squeeze3A_457 : i32
            scf.yield %add3A_458 : i32
          }
          %scan3A_361 = arith.constant 16 : i32
          scf.yield %scan3A_360 : i32
        } else {
          %add3A_356 = arith.constant 0 : i32
          %add3A_357 = arith.addi %mul3A_201, %add3A_356 : i32
          %get3A_358 = arith.index_cast %add3A_357 : i32 to index
          %get3A_359 = tpu.vector_load %arg4[%get3A_358] {strides = array<i32>} : memref<32768xf32, #tpu.memory_space<vmem>>, vector<16xf32>,
          %get3A_360 = vector.shape_cast %get3A_359 : vector<16xf32> to vector<16xf32>
          %gt3A_361 = arith.cmpf ogt, %get3A_360, %mul3A_189 : vector<16xf32>
          %select_n3A_362 = arith.select %gt3A_361, %get3A_360, %broadcast_in_dim3A_10 : vector<16xi1>, vector<16xf32>
          %swap3A_363 = arith.index_cast %add3A_357 : i32 to index
          %swap3A_364 = tpu.vector_load %arg4[%swap3A_363] {strides = array<i32>} : memref<32768xf32, #tpu.memory_space<vmem>>, vector<16xf32>,
          %swap3A_365 = vector.shape_cast %swap3A_364 : vector<16xf32> to vector<16xf32>
          %swap3A_366 = vector.shape_cast %select_n3A_362 : vector<16xf32> to vector<16xf32>
          tpu.vector_store %arg4[%swap3A_363], %swap3A_366 {strides = array<i32>} : memref<32768xf32, #tpu.memory_space<vmem>>, vector<16xf32>,
          %add3A_367 = arith.constant 16 : i32
          %add3A_368 = arith.addi %mul3A_201, %add3A_367 : i32
          %get3A_369 = arith.index_cast %add3A_368 : i32 to index
          %get3A_370 = tpu.vector_load %arg4[%get3A_369] {strides = array<i32>} : memref<32768xf32, #tpu.memory_space<vmem>>, vector<16xf32>,
          %get3A_371 = vector.shape_cast %get3A_370 : vector<16xf32> to vector<16xf32>
          %gt3A_372 = arith.cmpf ogt, %get3A_371, %mul3A_189 : vector<16xf32>
          %select_n3A_373 = arith.select %gt3A_372, %get3A_371, %broadcast_in_dim3A_10 : vector<16xi1>, vector<16xf32>
          %swap3A_374 = arith.index_cast %add3A_368 : i32 to index
          %swap3A_375 = tpu.vector_load %arg4[%swap3A_374] {strides = array<i32>} : memref<32768xf32, #tpu.memory_space<vmem>>, vector<16xf32>,
          %swap3A_376 = vector.shape_cast %swap3A_375 : vector<16xf32> to vector<16xf32>
          %swap3A_377 = vector.shape_cast %select_n3A_373 : vector<16xf32> to vector<16xf32>
          tpu.vector_store %arg4[%swap3A_374], %swap3A_377 {strides = array<i32>} : memref<32768xf32, #tpu.memory_space<vmem>>, vector<16xf32>,
          %add3A_378 = arith.constant 32 : i32
          %add3A_379 = arith.addi %mul3A_201, %add3A_378 : i32
          %get3A_380 = arith.index_cast %add3A_379 : i32 to index
          %get3A_381 = tpu.vector_load %arg4[%get3A_380] {strides = array<i32>} : memref<32768xf32, #tpu.memory_space<vmem>>, vector<16xf32>,
          %get3A_382 = vector.shape_cast %get3A_381 : vector<16xf32> to vector<16xf32>
          %gt3A_383 = arith.cmpf ogt, %get3A_382, %mul3A_189 : vector<16xf32>
          %select_n3A_384 = arith.select %gt3A_383, %get3A_382, %broadcast_in_dim3A_10 : vector<16xi1>, vector<16xf32>
          %swap3A_385 = arith.index_cast %add3A_379 : i32 to index
          %swap3A_386 = tpu.vector_load %arg4[%swap3A_385] {strides = array<i32>} : memref<32768xf32, #tpu.memory_space<vmem>>, vector<16xf32>,
          %swap3A_387 = vector.shape_cast %swap3A_386 : vector<16xf32> to vector<16xf32>
          %swap3A_388 = vector.shape_cast %select_n3A_384 : vector<16xf32> to vector<16xf32>
          tpu.vector_store %arg4[%swap3A_385], %swap3A_388 {strides = array<i32>} : memref<32768xf32, #tpu.memory_space<vmem>>, vector<16xf32>,
          %add3A_389 = arith.constant 48 : i32
          %add3A_390 = arith.addi %mul3A_201, %add3A_389 : i32
          %get3A_391 = arith.index_cast %add3A_390 : i32 to index
          %get3A_392 = tpu.vector_load %arg4[%get3A_391] {strides = array<i32>} : memref<32768xf32, #tpu.memory_space<vmem>>, vector<16xf32>,
          %get3A_393 = vector.shape_cast %get3A_392 : vector<16xf32> to vector<16xf32>
          %gt3A_394 = arith.cmpf ogt, %get3A_393, %mul3A_189 : vector<16xf32>
          %select_n3A_395 = arith.select %gt3A_394, %get3A_393, %broadcast_in_dim3A_10 : vector<16xi1>, vector<16xf32>
          %swap3A_396 = arith.index_cast %add3A_390 : i32 to index
          %swap3A_397 = tpu.vector_load %arg4[%swap3A_396] {strides = array<i32>} : memref<32768xf32, #tpu.memory_space<vmem>>, vector<16xf32>,
          %swap3A_398 = vector.shape_cast %swap3A_397 : vector<16xf32> to vector<16xf32>
          %swap3A_399 = vector.shape_cast %select_n3A_395 : vector<16xf32> to vector<16xf32>
          tpu.vector_store %arg4[%swap3A_396], %swap3A_399 {strides = array<i32>} : memref<32768xf32, #tpu.memory_space<vmem>>, vector<16xf32>,
          %add3A_400 = arith.constant 64 : i32
          %add3A_401 = arith.addi %mul3A_201, %add3A_400 : i32
          %get3A_402 = arith.index_cast %add3A_401 : i32 to index
          %get3A_403 = tpu.vector_load %arg4[%get3A_402] {strides = array<i32>} : memref<32768xf32, #tpu.memory_space<vmem>>, vector<16xf32>,
          %get3A_404 = vector.shape_cast %get3A_403 : vector<16xf32> to vector<16xf32>
          %gt3A_405 = arith.cmpf ogt, %get3A_404, %mul3A_189 : vector<16xf32>
          %select_n3A_406 = arith.select %gt3A_405, %get3A_404, %broadcast_in_dim3A_10 : vector<16xi1>, vector<16xf32>
          %swap3A_407 = arith.index_cast %add3A_401 : i32 to index
          %swap3A_408 = tpu.vector_load %arg4[%swap3A_407] {strides = array<i32>} : memref<32768xf32, #tpu.memory_space<vmem>>, vector<16xf32>,
          %swap3A_409 = vector.shape_cast %swap3A_408 : vector<16xf32> to vector<16xf32>
          %swap3A_410 = vector.shape_cast %select_n3A_406 : vector<16xf32> to vector<16xf32>
          tpu.vector_store %arg4[%swap3A_407], %swap3A_410 {strides = array<i32>} : memref<32768xf32, #tpu.memory_space<vmem>>, vector<16xf32>,
          %add3A_411 = arith.constant 80 : i32
          %add3A_412 = arith.addi %mul3A_201, %add3A_411 : i32
          %get3A_413 = arith.index_cast %add3A_412 : i32 to index
          %get3A_414 = tpu.vector_load %arg4[%get3A_413] {strides = array<i32>} : memref<32768xf32, #tpu.memory_space<vmem>>, vector<16xf32>,
          %get3A_415 = vector.shape_cast %get3A_414 : vector<16xf32> to vector<16xf32>
          %gt3A_416 = arith.cmpf ogt, %get3A_415, %mul3A_189 : vector<16xf32>
          %select_n3A_417 = arith.select %gt3A_416, %get3A_415, %broadcast_in_dim3A_10 : vector<16xi1>, vector<16xf32>
          %swap3A_418 = arith.index_cast %add3A_412 : i32 to index
          %swap3A_419 = tpu.vector_load %arg4[%swap3A_418] {strides = array<i32>} : memref<32768xf32, #tpu.memory_space<vmem>>, vector<16xf32>,
          %swap3A_420 = vector.shape_cast %swap3A_419 : vector<16xf32> to vector<16xf32>
          %swap3A_421 = vector.shape_cast %select_n3A_417 : vector<16xf32> to vector<16xf32>
          tpu.vector_store %arg4[%swap3A_418], %swap3A_421 {strides = array<i32>} : memref<32768xf32, #tpu.memory_space<vmem>>, vector<16xf32>,
          %add3A_422 = arith.constant 96 : i32
          %add3A_423 = arith.addi %mul3A_201, %add3A_422 : i32
          %get3A_424 = arith.index_cast %add3A_423 : i32 to index
          %get3A_425 = tpu.vector_load %arg4[%get3A_424] {strides = array<i32>} : memref<32768xf32, #tpu.memory_space<vmem>>, vector<16xf32>,
          %get3A_426 = vector.shape_cast %get3A_425 : vector<16xf32> to vector<16xf32>
          %gt3A_427 = arith.cmpf ogt, %get3A_426, %mul3A_189 : vector<16xf32>
          %select_n3A_428 = arith.select %gt3A_427, %get3A_426, %broadcast_in_dim3A_10 : vector<16xi1>, vector<16xf32>
          %swap3A_429 = arith.index_cast %add3A_423 : i32 to index
          %swap3A_430 = tpu.vector_load %arg4[%swap3A_429] {strides = array<i32>} : memref<32768xf32, #tpu.memory_space<vmem>>, vector<16xf32>,
          %swap3A_431 = vector.shape_cast %swap3A_430 : vector<16xf32> to vector<16xf32>
          %swap3A_432 = vector.shape_cast %select_n3A_428 : vector<16xf32> to vector<16xf32>
          tpu.vector_store %arg4[%swap3A_429], %swap3A_432 {strides = array<i32>} : memref<32768xf32, #tpu.memory_space<vmem>>, vector<16xf32>,
          %add3A_433 = arith.constant 112 : i32
          %add3A_434 = arith.addi %mul3A_201, %add3A_433 : i32
          %get3A_435 = arith.index_cast %add3A_434 : i32 to index
          %get3A_436 = tpu.vector_load %arg4[%get3A_435] {strides = array<i32>} : memref<32768xf32, #tpu.memory_space<vmem>>, vector<16xf32>,
          %get3A_437 = vector.shape_cast %get3A_436 : vector<16xf32> to vector<16xf32>
          %gt3A_438 = arith.cmpf ogt, %get3A_437, %mul3A_189 : vector<16xf32>
          %select_n3A_439 = arith.select %gt3A_438, %get3A_437, %broadcast_in_dim3A_10 : vector<16xi1>, vector<16xf32>
          %swap3A_440 = arith.index_cast %add3A_434 : i32 to index
          %swap3A_441 = tpu.vector_load %arg4[%swap3A_440] {strides = array<i32>} : memref<32768xf32, #tpu.memory_space<vmem>>, vector<16xf32>,
          %swap3A_442 = vector.shape_cast %swap3A_441 : vector<16xf32> to vector<16xf32>
          %swap3A_443 = vector.shape_cast %select_n3A_439 : vector<16xf32> to vector<16xf32>
          tpu.vector_store %arg4[%swap3A_440], %swap3A_443 {strides = array<i32>} : memref<32768xf32, #tpu.memory_space<vmem>>, vector<16xf32>,
          %add3A_444 = arith.constant 128 : i32
          %add3A_445 = arith.addi %mul3A_201, %add3A_444 : i32
          %get3A_446 = arith.index_cast %add3A_445 : i32 to index
          %get3A_447 = tpu.vector_load %arg4[%get3A_446] {strides = array<i32>} : memref<32768xf32, #tpu.memory_space<vmem>>, vector<16xf32>,
          %get3A_448 = vector.shape_cast %get3A_447 : vector<16xf32> to vector<16xf32>
          %gt3A_449 = arith.cmpf ogt, %get3A_448, %mul3A_189 : vector<16xf32>
          %select_n3A_450 = arith.select %gt3A_449, %get3A_448, %broadcast_in_dim3A_10 : vector<16xi1>, vector<16xf32>
          %swap3A_451 = arith.index_cast %add3A_445 : i32 to index
          %swap3A_452 = tpu.vector_load %arg4[%swap3A_451] {strides = array<i32>} : memref<32768xf32, #tpu.memory_space<vmem>>, vector<16xf32>,
          %swap3A_453 = vector.shape_cast %swap3A_452 : vector<16xf32> to vector<16xf32>
          %swap3A_454 = vector.shape_cast %select_n3A_450 : vector<16xf32> to vector<16xf32>
          tpu.vector_store %arg4[%swap3A_451], %swap3A_454 {strides = array<i32>} : memref<32768xf32, #tpu.memory_space<vmem>>, vector<16xf32>,
          %add3A_455 = arith.constant 144 : i32
          %add3A_456 = arith.addi %mul3A_201, %add3A_455 : i32
          %get3A_457 = arith.index_cast %add3A_456 : i32 to index
          %get3A_458 = tpu.vector_load %arg4[%get3A_457] {strides = array<i32>} : memref<32768xf32, #tpu.memory_space<vmem>>, vector<16xf32>,
          %get3A_459 = vector.shape_cast %get3A_458 : vector<16xf32> to vector<16xf32>
          %gt3A_460 = arith.cmpf ogt, %get3A_459, %mul3A_189 : vector<16xf32>
          %select_n3A_461 = arith.select %gt3A_460, %get3A_459, %broadcast_in_dim3A_10 : vector<16xi1>, vector<16xf32>
          %swap3A_462 = arith.index_cast %add3A_456 : i32 to index
          %swap3A_463 = tpu.vector_load %arg4[%swap3A_462] {strides = array<i32>} : memref<32768xf32, #tpu.memory_space<vmem>>, vector<16xf32>,
          %swap3A_464 = vector.shape_cast %swap3A_463 : vector<16xf32> to vector<16xf32>
          %swap3A_465 = vector.shape_cast %select_n3A_461 : vector<16xf32> to vector<16xf32>
          tpu.vector_store %arg4[%swap3A_462], %swap3A_465 {strides = array<i32>} : memref<32768xf32, #tpu.memory_space<vmem>>, vector<16xf32>,
          %add3A_466 = arith.constant 160 : i32
          %add3A_467 = arith.addi %mul3A_201, %add3A_466 : i32
          %get3A_468 = arith.index_cast %add3A_467 : i32 to index
          %get3A_469 = tpu.vector_load %arg4[%get3A_468] {strides = array<i32>} : memref<32768xf32, #tpu.memory_space<vmem>>, vector<16xf32>,
          %get3A_470 = vector.shape_cast %get3A_469 : vector<16xf32> to vector<16xf32>
          %gt3A_471 = arith.cmpf ogt, %get3A_470, %mul3A_189 : vector<16xf32>
          %select_n3A_472 = arith.select %gt3A_471, %get3A_470, %broadcast_in_dim3A_10 : vector<16xi1>, vector<16xf32>
          %swap3A_473 = arith.index_cast %add3A_467 : i32 to index
          %swap3A_474 = tpu.vector_load %arg4[%swap3A_473] {strides = array<i32>} : memref<32768xf32, #tpu.memory_space<vmem>>, vector<16xf32>,
          %swap3A_475 = vector.shape_cast %swap3A_474 : vector<16xf32> to vector<16xf32>
          %swap3A_476 = vector.shape_cast %select_n3A_472 : vector<16xf32> to vector<16xf32>
          tpu.vector_store %arg4[%swap3A_473], %swap3A_476 {strides = array<i32>} : memref<32768xf32, #tpu.memory_space<vmem>>, vector<16xf32>,
          %add3A_477 = arith.constant 176 : i32
          %add3A_478 = arith.addi %mul3A_201, %add3A_477 : i32
          %get3A_479 = arith.index_cast %add3A_478 : i32 to index
          %get3A_480 = tpu.vector_load %arg4[%get3A_479] {strides = array<i32>} : memref<32768xf32, #tpu.memory_space<vmem>>, vector<16xf32>,
          %get3A_481 = vector.shape_cast %get3A_480 : vector<16xf32> to vector<16xf32>
          %gt3A_482 = arith.cmpf ogt, %get3A_481, %mul3A_189 : vector<16xf32>
          %select_n3A_483 = arith.select %gt3A_482, %get3A_481, %broadcast_in_dim3A_10 : vector<16xi1>, vector<16xf32>
          %swap3A_484 = arith.index_cast %add3A_478 : i32 to index
          %swap3A_485 = tpu.vector_load %arg4[%swap3A_484] {strides = array<i32>} : memref<32768xf32, #tpu.memory_space<vmem>>, vector<16xf32>,
          %swap3A_486 = vector.shape_cast %swap3A_485 : vector<16xf32> to vector<16xf32>
          %swap3A_487 = vector.shape_cast %select_n3A_483 : vector<16xf32> to vector<16xf32>
          tpu.vector_store %arg4[%swap3A_484], %swap3A_487 {strides = array<i32>} : memref<32768xf32, #tpu.memory_space<vmem>>, vector<16xf32>,
          %add3A_488 = arith.constant 192 : i32
          %add3A_489 = arith.addi %mul3A_201, %add3A_488 : i32
          %get3A_490 = arith.index_cast %add3A_489 : i32 to index
          %get3A_491 = tpu.vector_load %arg4[%get3A_490] {strides = array<i32>} : memref<32768xf32, #tpu.memory_space<vmem>>, vector<16xf32>,
          %get3A_492 = vector.shape_cast %get3A_491 : vector<16xf32> to vector<16xf32>
          %gt3A_493 = arith.cmpf ogt, %get3A_492, %mul3A_189 : vector<16xf32>
          %select_n3A_494 = arith.select %gt3A_493, %get3A_492, %broadcast_in_dim3A_10 : vector<16xi1>, vector<16xf32>
          %swap3A_495 = arith.index_cast %add3A_489 : i32 to index
          %swap3A_496 = tpu.vector_load %arg4[%swap3A_495] {strides = array<i32>} : memref<32768xf32, #tpu.memory_space<vmem>>, vector<16xf32>,
          %swap3A_497 = vector.shape_cast %swap3A_496 : vector<16xf32> to vector<16xf32>
          %swap3A_498 = vector.shape_cast %select_n3A_494 : vector<16xf32> to vector<16xf32>
          tpu.vector_store %arg4[%swap3A_495], %swap3A_498 {strides = array<i32>} : memref<32768xf32, #tpu.memory_space<vmem>>, vector<16xf32>,
          %add3A_499 = arith.constant 208 : i32
          %add3A_500 = arith.addi %mul3A_201, %add3A_499 : i32
          %get3A_501 = arith.index_cast %add3A_500 : i32 to index
          %get3A_502 = tpu.vector_load %arg4[%get3A_501] {strides = array<i32>} : memref<32768xf32, #tpu.memory_space<vmem>>, vector<16xf32>,
          %get3A_503 = vector.shape_cast %get3A_502 : vector<16xf32> to vector<16xf32>
          %gt3A_504 = arith.cmpf ogt, %get3A_503, %mul3A_189 : vector<16xf32>
          %select_n3A_505 = arith.select %gt3A_504, %get3A_503, %broadcast_in_dim3A_10 : vector<16xi1>, vector<16xf32>
          %swap3A_506 = arith.index_cast %add3A_500 : i32 to index
          %swap3A_507 = tpu.vector_load %arg4[%swap3A_506] {strides = array<i32>} : memref<32768xf32, #tpu.memory_space<vmem>>, vector<16xf32>,
          %swap3A_508 = vector.shape_cast %swap3A_507 : vector<16xf32> to vector<16xf32>
          %swap3A_509 = vector.shape_cast %select_n3A_505 : vector<16xf32> to vector<16xf32>
          tpu.vector_store %arg4[%swap3A_506], %swap3A_509 {strides = array<i32>} : memref<32768xf32, #tpu.memory_space<vmem>>, vector<16xf32>,
          %add3A_510 = arith.constant 224 : i32
          %add3A_511 = arith.addi %mul3A_201, %add3A_510 : i32
          %get3A_512 = arith.index_cast %add3A_511 : i32 to index
          %get3A_513 = tpu.vector_load %arg4[%get3A_512] {strides = array<i32>} : memref<32768xf32, #tpu.memory_space<vmem>>, vector<16xf32>,
          %get3A_514 = vector.shape_cast %get3A_513 : vector<16xf32> to vector<16xf32>
          %gt3A_515 = arith.cmpf ogt, %get3A_514, %mul3A_189 : vector<16xf32>
          %select_n3A_516 = arith.select %gt3A_515, %get3A_514, %broadcast_in_dim3A_10 : vector<16xi1>, vector<16xf32>
          %swap3A_517 = arith.index_cast %add3A_511 : i32 to index
          %swap3A_518 = tpu.vector_load %arg4[%swap3A_517] {strides = array<i32>} : memref<32768xf32, #tpu.memory_space<vmem>>, vector<16xf32>,
          %swap3A_519 = vector.shape_cast %swap3A_518 : vector<16xf32> to vector<16xf32>
          %swap3A_520 = vector.shape_cast %select_n3A_516 : vector<16xf32> to vector<16xf32>
          tpu.vector_store %arg4[%swap3A_517], %swap3A_520 {strides = array<i32>} : memref<32768xf32, #tpu.memory_space<vmem>>, vector<16xf32>,
          %add3A_521 = arith.constant 240 : i32
          %add3A_522 = arith.addi %mul3A_201, %add3A_521 : i32
          %get3A_523 = arith.index_cast %add3A_522 : i32 to index
          %get3A_524 = tpu.vector_load %arg4[%get3A_523] {strides = array<i32>} : memref<32768xf32, #tpu.memory_space<vmem>>, vector<16xf32>,
          %get3A_525 = vector.shape_cast %get3A_524 : vector<16xf32> to vector<16xf32>
          %gt3A_526 = arith.cmpf ogt, %get3A_525, %mul3A_189 : vector<16xf32>
          %select_n3A_527 = arith.select %gt3A_526, %get3A_525, %broadcast_in_dim3A_10 : vector<16xi1>, vector<16xf32>
          %swap3A_528 = arith.index_cast %add3A_522 : i32 to index
          %swap3A_529 = tpu.vector_load %arg4[%swap3A_528] {strides = array<i32>} : memref<32768xf32, #tpu.memory_space<vmem>>, vector<16xf32>,
          %swap3A_530 = vector.shape_cast %swap3A_529 : vector<16xf32> to vector<16xf32>
          %swap3A_531 = vector.shape_cast %select_n3A_527 : vector<16xf32> to vector<16xf32>
          tpu.vector_store %arg4[%swap3A_528], %swap3A_531 {strides = array<i32>} : memref<32768xf32, #tpu.memory_space<vmem>>, vector<16xf32>,
          scf.yield %scan3A_199 : i32
        }
        scf.yield %cond3A_355 : i32
      }
      %scan3A_196 = arith.constant 128 : i32
      "tpu.region"() ({
        %run_scoped3A = tpu.sem_alloc : memref<!tpu.dma_semaphore, #tpu.memory_space<semaphore_mem>>
        %dma_start3A = arith.constant 0 : i32
        %dma_start3A_198 = tpu.memref_slice %arg3[%add3A_41, %dma_start3A] : memref<128x32768xf32, #tpu.memory_space<hbm>> -> memref<1x32768xf32, #tpu.memory_space<hbm>>
        %dma_start3A_199 = tpu.memref_squeeze %dma_start3A_198 : memref<1x32768xf32, #tpu.memory_space<hbm>> -> memref<32768xf32, #tpu.memory_space<hbm>>
        %dma_start3A_200 = arith.constant 0 : i32
        %dma_start3A_201 = tpu.memref_slice %arg3[%add3A_41, %dma_start3A_200] : memref<128x32768xf32, #tpu.memory_space<hbm>> -> memref<1x32768xf32, #tpu.memory_space<hbm>>
        %dma_start3A_202 = tpu.memref_squeeze %dma_start3A_201 : memref<1x32768xf32, #tpu.memory_space<hbm>> -> memref<32768xf32, #tpu.memory_space<hbm>>
        tpu.enqueue_dma source(%arg4 : memref<32768xf32, #tpu.memory_space<vmem>>) target(%dma_start3A_202 : memref<32768xf32, #tpu.memory_space<hbm>>) target_semaphore(%run_scoped3A : memref<!tpu.dma_semaphore, #tpu.memory_space<semaphore_mem>>)
        %dma_wait3A = arith.constant 0 : i32
        %dma_wait3A_203 = tpu.memref_slice %arg3[%add3A_41, %dma_wait3A] : memref<128x32768xf32, #tpu.memory_space<hbm>> -> memref<1x32768xf32, #tpu.memory_space<hbm>>
        %dma_wait3A_204 = tpu.memref_squeeze %dma_wait3A_203 : memref<1x32768xf32, #tpu.memory_space<hbm>> -> memref<32768xf32, #tpu.memory_space<hbm>>
        %dma_wait3A_205 = arith.constant 0 : i32
        %dma_wait3A_206 = tpu.memref_slice %arg3[%add3A_41, %dma_wait3A_205] : memref<128x32768xf32, #tpu.memory_space<hbm>> -> memref<1x32768xf32, #tpu.memory_space<hbm>>
        %dma_wait3A_207 = tpu.memref_squeeze %dma_wait3A_206 : memref<1x32768xf32, #tpu.memory_space<hbm>> -> memref<32768xf32, #tpu.memory_space<hbm>>
        tpu.wait_dma2 semaphore(%run_scoped3A : memref<!tpu.dma_semaphore, #tpu.memory_space<semaphore_mem>>) src(%arg4 : memref<32768xf32, #tpu.memory_space<vmem>>) dst(%dma_wait3A_207 : memref<32768xf32, #tpu.memory_space<hbm>>)
        tpu.yield
      }) : () -> ()
      %scan3A_197 = arith.constant 0 : i32
      scf.yield %scan3A_197 : i32
    }
    %scan3A_36 = arith.constant 4 : i32
    return
  }
}

</mosaic_0001>

<sc_bundles>
// kernel: kernel.3.cloned.1.call-start
scs
__scs_entry_jumppad:
0x0: {  	(pc) =	sbr.rel $0x88, $3  }
0x1: {  	(tag) =	ssettag $0x0;
	lr =	simm.s32 $0x1  }
0x2: {  	[smem:$0x3FA0] =	sst lr;
	_ =	strace $0xD0000000  }
0x3: {  	_ = 	snop  }
0x4: {  	_ = 	snop  }
0x5: {  	_ = 	snop  }
0x6: {  	_ = 	snop  }
0x7: {  	_ = 	snop  }
__scs_overlays_trampoline_lowered:
0x8: {  	[smem:$0x3FAF] =	sst s0  }
0x9: {  	[smem:$0x3FB0] =	sst s1  }
0xa: {  	[smem:$0x3FB1] =	sst s2  }
0xb: {  	[smem:$0x3FB2] =	sst s3  }
0xc: {  	[smem:$0x3FB3] =	sst s4  }
0xd: {  	[smem:$0x3FB4] =	sst s5  }
0xe: {  	[smem:$0x3FB5] =	sst s6  }
0xf: {  	[smem:$0x3FB6] =	sst s7  }
0x10: {  	[smem:$0x3FB7] =	sst s8  }
0x11: {  	[smem:$0x3FB8] =	sst s9;
	s0 =	simm.s32 @!p0 $0x0  }
0x12: {  	s1 =	sld [smem:$0x3F9E];
	s0 =	simm.s32 @p0 $0x1  }
0x13: {  	[smem:$0x3FB9] =	sst s0;
	s0 =	simm.s32 @!p1 $0x0  }
0x14: {  	s2 =	sld [smem:$0x3F9D];
	s0 =	simm.s32 @p1 $0x1  }
0x15: {  	[smem:$0x3FBA] =	sst s0;
	s0 =	simm.s32 @!p2 $0x0  }
0x16: {  	s3 =	sld [smem:$0x3FDB];
	s0 =	simm.s32 @p2 $0x1  }
0x17: {  	s4 =	simm.s32 $0x1BF5;
	[smem:$0x3FBC] =	sst s0  }
0x18: {  	s0 =	sld [smem:$0x3F9F];
	_ =	swait.ge [sflag:s4], $0x0  }
0x19: {  	s7 =	sld [smem:$0x3FA0]  }
0x1a: {  	s8 =	sadd.s32 $0xFFFFE003, lr  }
0x1b: {  	s9 =	sadd.s32 $0xFFFFFEF7, lr;
	s5 =	simm.s32 $0xFFFFFFFF;
	p2 =	slt.u32 s8, $0xFFFFF086  }
0x1c: {  	p1 =	slt.u32 s9, $0xF7A;
	s5 =	simm.s32 @!p2 $0x0  }
0x1d: {  	s5 =	simm.s32 @p1 $0x1;
	p0 =	seq.s32 s7, s2  }
0x1e: {  	s7 =	smul.u32 @!p0 $0xF7A, s2;
	p2 =	seq.s32 @!p0 s5, $0x0  }
0x1f: {  	s9 =	smul.u32 $0xF7A, s1;
	s8 =	simm.s32 @!p0 $0x1BF5;
	p2 =	por !p2, p0  }
0x20: {  	[sflag:s8] =	ssyncset.s32 @!p0 $0xFFFFF086;
	s6 =	sadd.s32 @!p0 s3, s7;
	s7 =	simm.s32 @!p0 $0x108  }
0x21: {  	s3 =	sadd.s32 s3, s9;
	s6 =	sadd.s32 @!p0 $0x88, s6;
	s7 =	simm.s32 @p2 $0x1082  }
0x22: {  	[simem:s7], [sflag:s8] =	dma.local @!p0 [hbm:s6], $0xF7A  }
0x23: {  	s9 =	sor.u32 $0xD0000000, s2;
	s6 =	simm.s32 $0x108;
	_ =	swait.ge @!p0 [sflag:s8], $0x0  }
0x24: {  	s3 =	sadd.s32 $0x88, s3;
	s6 =	simm.s32 @!p1 $0x1082;
	[sflag:s4] =	ssyncset.s32 $0xFFFFF086  }
0x25: {  	[simem:s6], [sflag:s4] =	dma.local [hbm:s3], $0xF7A  }
0x26: {  	[smem:$0x3FA0] =	sst s1;
	(tag) =	ssettag s2;
	_ =	strace s9  }
0x27: {  	s1 =	sld [smem:$0x3FB0]  }
0x28: {  	s2 =	sld [smem:$0x3FB1]  }
0x29: {  	s4 =	sld [smem:$0x3FB3]  }
0x2a: {  	p0 =	seq.s32 s5, $0x0;
	s5 =	sld [smem:$0x3FB4]  }
0x2b: {  	s6 =	sld [smem:$0x3FB5]  }
0x2c: {  	s7 =	sld [smem:$0x3FB6]  }
0x2d: {  	s3 =	simm.s32 $0x108;
	s8 =	sld [smem:$0x3FB7]  }
0x2e: {  	s3 =	simm.s32 @!p0 $0x1082;
	s9 =	sld [smem:$0x3FB8]  }
0x2f: {  	lr =	sadd.s32 s0, s3;
	s0 =	sld [smem:$0x3FAF]  }
0x30: {  	s3 =	sld [smem:$0x3FB2]  }
0x31: {  	[smem:$0x3FBB] =	sst s10  }
0x32: {  	s10 =	sld [smem:$0x3FB9];
	_ =	sdelay $0x3  }
0x33: {  	p0 =	seq.s32 s10, $0x1;
	s10 =	sld [smem:$0x3FBB];
	_ =	sdelay $0x3  }
0x34: {  	[smem:$0x3FBB] =	sst s10  }
0x35: {  	s10 =	sld [smem:$0x3FBA];
	_ =	sdelay $0x3  }
0x36: {  	p1 =	seq.s32 s10, $0x1;
	s10 =	sld [smem:$0x3FBB];
	_ =	sdelay $0x3  }
0x37: {  	[smem:$0x3FBB] =	sst s10  }
0x38: {  	s10 =	sld [smem:$0x3FBC]  }
0x39: {  	_ = 	snop;
	(pc) =	sbr.ind lr, $3  }
0x3a: {  	_ = 	snop  }
0x3b: {  	_ = 	snop  }
0x3c: {  	p2 =	seq.s32 s10, $0x1;
	s10 =	sld [smem:$0x3FBB]  }
0x3d: {  	_ =	shalt  }
0x3e: {  	_ =	shalt  }
0x3f: {  	_ =	shalt  }
0x40: {  	_ =	shalt  }
0x41: {  	_ =	shalt  }
0x42: {  	_ =	shalt  }
0x43: {  	_ =	shalt  }
0x44: {  	_ =	shalt  }
0x45: {  	_ =	shalt  }
0x46: {  	_ =	shalt  }
0x47: {  	_ =	shalt  }
0x48: {  	_ =	shalt  }
0x49: {  	_ =	shalt  }
0x4a: {  	_ =	shalt  }
0x4b: {  	_ =	shalt  }
0x4c: {  	_ =	shalt  }
0x4d: {  	_ =	shalt  }
0x4e: {  	_ =	shalt  }
0x4f: {  	_ =	shalt  }
0x50: {  	_ =	shalt  }
0x51: {  	_ =	shalt  }
0x52: {  	_ =	shalt  }
0x53: {  	_ =	shalt  }
0x54: {  	_ =	shalt  }
0x55: {  	_ =	shalt  }
0x56: {  	_ =	shalt  }
0x57: {  	_ =	shalt  }
0x58: {  	_ =	shalt  }
0x59: {  	_ =	shalt  }
0x5a: {  	_ =	shalt  }
0x5b: {  	_ =	shalt  }
0x5c: {  	_ =	shalt  }
0x5d: {  	_ =	shalt  }
0x5e: {  	_ =	shalt  }
0x5f: {  	_ =	shalt  }
0x60: {  	_ =	shalt  }
0x61: {  	_ =	shalt  }
0x62: {  	_ =	shalt  }
0x63: {  	_ =	shalt  }
0x64: {  	_ =	shalt  }
0x65: {  	_ =	shalt  }
0x66: {  	_ =	shalt  }
0x67: {  	_ =	shalt  }
0x68: {  	_ =	shalt  }
0x69: {  	_ =	shalt  }
0x6a: {  	_ =	shalt  }
0x6b: {  	_ =	shalt  }
0x6c: {  	_ =	shalt  }
0x6d: {  	_ =	shalt  }
0x6e: {  	_ =	shalt  }
0x6f: {  	_ =	shalt  }
0x70: {  	_ =	shalt  }
0x71: {  	_ =	shalt  }
0x72: {  	_ =	shalt  }
0x73: {  	_ =	shalt  }
0x74: {  	_ =	shalt  }
0x75: {  	_ =	shalt  }
0x76: {  	_ =	shalt  }
0x77: {  	_ =	shalt  }
0x78: {  	_ =	shalt  }
0x79: {  	_ =	shalt  }
0x7a: {  	_ =	shalt  }
0x7b: {  	_ =	shalt  }
0x7c: {  	_ =	shalt  }
0x7d: {  	_ =	shalt  }
0x7e: {  	_ =	shalt  }
0x7f: {  	_ =	shalt  }
0x80: {  	_ =	shalt  }
0x81: {  	_ =	shalt  }
0x82: {  	_ =	shalt  }
0x83: {  	_ =	shalt  }
0x84: {  	_ =	shalt  }
0x85: {  	_ =	shalt  }
0x86: {  	_ =	shalt  }
0x87: {  	_ =	shalt  }
.Lfunc_end0:
.L_simem_size_0:
called_computation_lowered:
.L_overlay_start_0:
0x88: {  	s2 =	sld [smem:$0x3FD9]  }
0x89: {  	s3 =	sld [smem:$0x3FFE];
	_ =	sdelay $0x1  }
0x8a: {  	s1 =	srdreg.scid  }
0x8b: {  	s0 =	sand.u32 $0x1, s1  }
0x8c: {  	s18 =	sshll.u32 s0, $0xA;
	s2 =	sadd.s32 s3, s2  }
0x8d: {  	s2 =	sadd.s32 s2, s18  }
0x8e: {  	[smem:$0x3FC7] =	sst s2  }
0x8f: {  	_ = 	snop  }
0x90: {  	s2 =	sld [smem:$0x3FC9]  }
0x91: {  	s19 =	sld [smem:$0x3FD0];
	(tm) =	ssettm $0x1  }
0x92: {  	s4 =	sld [smem:$0x3FFB];
	_ =	sdelay $0x3  }
0x93: {  	_ =	strace s4  }
0x94: {  	s4 =	sld [smem:$0x3FFC];
	_ =	sdelay $0x3  }
0x95: {  	_ =	strace s4  }
0x96: {  	s4 =	sld [smem:$0x3FFD];
	_ =	sdelay $0x3  }
0x97: {  	_ =	strace s4  }
0x98: {  	_ =	strace $0x8FFFFFFF  }
0x99: {  	s20 =	sld [smem:$0x3FDB];
	_ =	sdelay $0x1  }
0x9a: {  	s5 =	simm.s32 $_scs_section_size  }
0x9b: {  	s6 =	simm.s32 $_size__tile_overlayer_lowered;
	s7 =	simm.s32 $_tile_overlayer_lowered  }
0x9c: {  	s23 =	simm.s32 $0x1BFF;
	s22 =	sshll.u32 s7, $0x1;
	s4 =	sadd.s32 s5, s20  }
0x9d: {  	s8 =	simm.s32 $0x0;
	s21 =	sshll.u32 s6, $0x1;
	s6 =	sadd.s32 s22, s4  }
0x9e: {  	[timem:s8], [sflag:s23] =	dma.local [hbm:s6], s21  }
0x9f: {  	_ =	swait.ge [sflag:s23], s21  }
0xa0: {  	s5 =	ssub.s32 $0x0, s21;
	[sflag:s23] =	ssyncset.done $0x0  }
0xa1: {  	[sflag:s23] =	ssyncadd.s32 s5;
	_ =	sdelay $0x1  }
0xa2: {  	s24 =	simm.s32 $0x1B8B  }
0xa3: {  	_ =	swait.ge [sflag:s24], $0x1  }
0xa4: {  	[sflag:s24] =	ssyncset.done $0x0  }
0xa5: {  	s25 =	simm.s32 $0x1B8E;
	[sflag:s24] =	ssyncadd.s32 $0xFFFFFFFF  }
0xa6: {  	s26 =	simm.s32 $execute0_lowered;
	[smem:$0x3FD2] =	sst s25  }
0xa7: {  	s5 =	sshll.u32 s26, $0x1;
	_ =	strace $0x80000046;
	[dreg:$0x1] =	wrdreg $0xFFFFFFFF  }
0xa8: {  	s28 =	simm.s32 $_size_execute0_lowered;
	s4 =	sadd.s32 s4, s5;
	[dreg:$0x0] =	wrdreg $0x0  }
0xa9: {  	s5 =	sshll.u32 s28, $0x1;
	[dreg:$0x2] =	wrdreg s4  }
0xaa: {  	[dreg:$0x3] =	wrdreg s5  }
0xab: {  	[dreg:$0x4] =	wrdreg $0xC0  }
0xac: {  	_ =	task [dreg:s8], $0x5FFFF  }
0xad: {  	[dreg:$0x1] =	wrdreg $0xFFFFFFFF  }
0xae: {  	[dreg:$0x0] =	wrdreg $0x60  }
0xaf: {  	[dreg:$0x2] =	wrdreg s2  }
0xb0: {  	[dreg:$0x3] =	wrdreg s19  }
0xb1: {  	[dreg:$0x4] =	wrdreg $0x9  }
0xb2: {  	_ =	task.clear_ibuf [dreg:s8], $0x5FFFF;
	_ =	strace $0x90000046  }
0xb3: {  	s29 =	simm.s32 $0x9;
	_ =	strace $0x80000048  }
0xb4: {  	_ =	swait.ge [sflag:s29], $0x1  }
0xb5: {  	[sflag:s29] =	ssyncadd.s32 $0xFFFFFFFF  }
0xb6: {  	_ =	strace $0x90000048  }
0xb7: {  	_ =	sfence  }
0xb8: {  	s30 =	sld [smem:$0x0];
	_ =	sdelay $0x2  }
0xb9: {  	s31 =	sshll.u32 s1, $0xD;
	s1 =	sshrl.u32 s1, $0x2  }
0xba: {  	s3 =	sand.u32 $0x4000, s31;
	s1 =	sadd.s32 s1, s30  }
0xbb: {  	s0 =	sor.u32 s3, s0;
	s1 =	sshll.u32 s1, $0x11  }
0xbc: {  	s0 =	sor.u32 s1, s0  }
0xbd: {  	s0 =	sadd.s32 $0x8F2B, s0  }
0xbe: {  	[sflag:s0] =	ssyncadd.remote.s32 $0x1  }
0xbf: {  	_ =	sfence.sel $0xFFFF  }
0xc0: {  	[dreg:$0x0] =	wrdreg $0xFFFFFFFF;
	(pc) =	sbr.abs _section_cstart, $3  }
0xc1: {  	[dreg:$0x1] =	wrdreg $0xFFFFFFFF  }
0xc2: {  	_ =	task.clear_ibuf [dreg:s8], $0x2FFFF;
	_ =	strace $0x9FFFFFFF  }
0xc3: {  	(tm) =	ssettm $0x7FFFFFFF  }
tec
execute0_lowered:
.L_overlay_start_1:
0x0: {  	(tag) =	ssettag $0x1  }
0x1: {  	s1 =	rddreg [dreg:$0x0]  }
0x2: {  	s2 =	rddreg [dreg:$0x1];
	s4 =	srdreg.scid  }
0x3: {  	s0 =	rddreg [dreg:$0x2];
	s3 =	simm.s32 $0x0;
	s8 =	simm.s32 $0x400  }
.Ltmp0:
0x4: {  	s9 =	simm.s32 $0x1;
	s5 =	sand.u32 $0x1, s4;
	(pc) =	sbr.rel .LBB2_1-.Ltmp0, $4  }
0x5: {  	s10 =	simm.s32 $0x0;
	[smem:$0x7FF] =	sst s3;
	s6 =	ssub.s32 $0x2, s5  }
0x6: {  	v0 =	vimm.s32 $0x0;
	s4 =	stileid.u32;
	_ =	strace $0x80000047;
	s7 =	sshrl.u32 s6, $0x1  }
0x7: {  	v1 =	vimm.f32 $0.0e+00;
	v2 =	vimm.f32 $-Inf;
	v3 =	vlaneseq.u32;
	s31 =	sshll.u32 s4, $0xF;
	s5 =	sshll.u32 s5, $0x6;
	s6 =	ssub.s32 s6, s7  }
0x8: {  	vm0 =	vmmov $0x3;
	vm1 =	vmmov $0xf;
	vm2 =	vmmov $0xff;
	s5 =	sor.u32 s31, s5;
	s7 =	simm.s32 $0x80;
	s6 =	smax.u32 s6, $0x1  }
.LBB2_42:
0x9: {  	s10 =	sadd.s32 $0x1, s10  }
0xa: {  	p0 =	sne.s32 s10, s6  }
.Ltmp1:
0xb: {  	_ = 	snop;
	(pc) =	sbr.rel @!p0 .LBB2_43-.Ltmp1, $1  }
0xc: {  	_ =	sdelay $0x3  }
.LBB2_1:
.Ltmp2:
0xd: {  	(pc) =	sbr.rel .LBB2_2-.Ltmp2, $4  }
0xe: {  	[tilespmem:$0x8000] =	vst v0  }
0xf: {  	[tilespmem:$0x8020] =	vst v0  }
0x10: {  	[tilespmem:$0x8080] =	vst v1  }
0x11: {  	[tilespmem:$0x80A0] =	vst v1;
	s11 =	simm.s32 $0x0  }
.LBB2_41:
0x12: {  	s11 =	sadd.s32 $0x1, s11  }
0x13: {  	p0 =	sne.s32 s11, $0x4  }
.Ltmp3:
0x14: {  	s12 =	sadd.s32 s2, s12;
	(pc) =	sbr.rel @!p0 .LBB2_42-.Ltmp3, $4  }
0x15: {  	[hbm4b:s12+s7] =	stream.strided.scatter [tilespmem:s3], [sflag:$0x1], $0x8000, s8, s7, $0x38;
	[tilespmem:$0x10200] =	vst v63  }
0x16: {  	_ =	swait.ge [sflag:s9], $0x8000  }
0x17: {  	[sflag:s9] =	ssyncset.done $0x0  }
0x18: {  	[sflag:s9] =	ssyncadd.s32 $0xFFFF8000  }
.LBB2_2:
0x19: {  	s12 =	sshll.u32 s11, $0x4  }
0x1a: {  	s12 =	sadd.s32 s5, s12  }
0x1b: {  	s15 =	simm.s32 $0x0;
	s13 =	sadd.s32 s1, s12  }
0x1c: {  	[tilespmem:s15], [sflag:$0x1] =	stream.strided.gather [hbm4b:s13+s7], $0x8000, s8, s7, $0x38;
	[tilespmem:$0x10200] =	vst v63  }
.Ltmp4:
0x1d: {  	_ = 	snop;
	(pc) =	sbr.rel .LBB2_3-.Ltmp4, $4  }
0x1e: {  	_ =	swait.ge [sflag:s9], $0x8000  }
0x1f: {  	[sflag:s9] =	ssyncset.done $0x0  }
0x20: {  	[sflag:s9] =	ssyncadd.s32 $0xFFFF8000  }
0x21: {  	s13 =	simm.s32 $0x0;
	[tilespmem:$0x10180] =	vst v2  }
.LBB2_12:
0x22: {  	s13 =	sadd.s32 $0x1, s13  }
0x23: {  	p0 =	sne.s32 s13, $0x80  }
.Ltmp5:
0x24: {  	_ = 	snop;
	(pc) =	sbr.rel @!p0 .LBB2_13-.Ltmp5, $1  }
0x25: {  	_ =	sdelay $0x3  }
.LBB2_3:
0x26: {  	s14 =	sshll.u32 s13, $0x8  }
0x27: {  	v4 =	vld [tilespmem:$0x10180];
	s14 =	sand.u32 $0x3FFFFF00, s14  }
0x28: {  	v5 =	vld [tilespmem:s14+$0x0]  }
0x29: {  	v6 =	vld [tilespmem:s14+$0x10]  }
0x2a: {  	v7 =	vld [tilespmem:s14+$0x20]  }
0x2b: {  	v8 =	vld [tilespmem:s14+$0x30]  }
0x2c: {  	v9 =	vld [tilespmem:s14+$0x40]  }
0x2d: {  	v10 =	vld [tilespmem:s14+$0x50]  }
0x2e: {  	vm3 =	vge.f32 v5, v4;
	vm4 =	vge.f32 v6, v4;
	v5 =	vld [tilespmem:s14+$0x60]  }
0x2f: {  	v56 =	vld [tilespmem:s14+$0x70];
	vm10 =	vge.f32 v7, v4;
	vm3 =	vmor vm3, vm4  }
0x30: {  	v57 =	vld [tilespmem:s14+$0x80];
	vm11 =	vge.f32 v8, v4;
	vm3 =	vmor vm3, vm10  }
0x31: {  	v58 =	vld [tilespmem:s14+$0x90];
	vm12 =	vge.f32 v9, v4;
	vm3 =	vmor vm3, vm11  }
0x32: {  	v59 =	vld [tilespmem:s14+$0xA0];
	vm13 =	vge.f32 v10, v4;
	vm3 =	vmor vm3, vm12  }
0x33: {  	vm3 =	vmor vm3, vm13;
	vm14 =	vge.f32 v5, v4;
	v5 =	vld [tilespmem:s14+$0xB0]  }
0x34: {  	v60 =	vld [tilespmem:s14+$0xC0];
	vm15 =	vge.f32 v56, v4;
	vm3 =	vmor vm3, vm14  }
0x35: {  	v61 =	vld [tilespmem:s14+$0xD0];
	vm8 =	vge.f32 v57, v4;
	vm3 =	vmor vm3, vm15  }
0x36: {  	v62 =	vld [tilespmem:s14+$0xE0];
	vm9 =	vge.f32 v58, v4;
	vm3 =	vmor vm3, vm8  }
0x37: {  	v63 =	vld [tilespmem:s14+$0xF0];
	vm10 =	vge.f32 v59, v4;
	vm3 =	vmor vm3, vm9  }
0x38: {  	vm3 =	vmor vm3, vm10;
	vm11 =	vge.f32 v5, v4  }
0x39: {  	vm12 =	vge.f32 v60, v4;
	vm3 =	vmor vm3, vm11  }
0x3a: {  	vm13 =	vge.f32 v61, v4;
	vm3 =	vmor vm3, vm12  }
0x3b: {  	vm14 =	vge.f32 v62, v4;
	vm3 =	vmor vm3, vm13  }
0x3c: {  	vm15 =	vge.f32 v63, v4;
	vm3 =	vmor vm3, vm14  }
0x3d: {  	vm3 =	vmor vm3, vm15  }
0x3e: {  	v4 =	vsel vm3, $0x1, v0  }
0x3f: {  	[tilespmem:$0x8010] =	vst v4  }
0x40: {  	v5 =	vld [tilespmem:$0x800F];
	_ =	sdelay $0x4  }
0x41: {  	v4 =	vadd.s32 v4, v5  }
0x42: {  	[tilespmem:$0x8010] =	vst v4  }
0x43: {  	v5 =	vld [tilespmem:$0x800E];
	_ =	sdelay $0x4  }
0x44: {  	v4 =	vadd.s32 v5, v4  }
0x45: {  	[tilespmem:$0x8010] =	vst v4  }
0x46: {  	v5 =	vld [tilespmem:$0x800C];
	_ =	sdelay $0x4  }
0x47: {  	v4 =	vadd.s32 v4, v5  }
0x48: {  	[tilespmem:$0x8010] =	vst v4  }
0x49: {  	v5 =	vld [tilespmem:$0x8008];
	_ =	sdelay $0x4  }
0x4a: {  	v4 =	vadd.s32 v4, v5  }
0x4b: {  	(v2sf) =	vpush v4, $0xF;
	_ =	sdelay $0xe  }
0x4c: {  	s16 =	spop (v2sf)  }
0x4d: {  	p0 =	slt.s32 s16, $0x1  }
.Ltmp6:
0x4e: {  	_ = 	snop;
	(pc) =	sbr.rel @!p0 .LBB2_4-.Ltmp6, $4  }
.Ltmp7:
0x4f: {  	_ = 	snop;
	(pc) =	sbr.rel @p0 .LBB2_12-.Ltmp7, $4  }
0x50: {  	_ = 	snop  }
0x51: {  	_ = 	snop  }
0x52: {  	[tilespmem:$0x8010] =	vst v4;
	s16 =	simm.s32 $0x0  }
0x53: {  	_ = 	snop  }
.LBB2_5:
0x54: {  	s18 =	smov.u32 @p0 s15  }
0x55: {  	s15 =	smov.u32 s18  }
.LBB2_11:
0x56: {  	s16 =	sadd.s32 $0x1, s16  }
0x57: {  	p0 =	sne.s32 s16, $0x10  }
.Ltmp8:
0x58: {  	_ = 	snop;
	(pc) =	sbr.rel @!p0 .LBB2_12-.Ltmp8, $1  }
0x59: {  	_ =	sdelay $0x3  }
.LBB2_4:
0x5a: {  	s17 =	sshll.u32 s16, $0x4  }
0x5b: {  	s18 =	sand.u32 $0x80, s17  }
0x5c: {  	s17 =	sand.u32 $0x70, s17;
	s18 =	sadd.s32 s18, s14  }
0x5d: {  	v5 =	vld [tilespmem:$0x10180];
	s17 =	sadd.s32 s17, s18  }
0x5e: {  	v4 =	vld [tilespmem:s17+$0x0];
	_ =	sdelay $0x4  }
0x5f: {  	vm3 =	vge.f32 v4, v5  }
0x60: {  	v5 =	vsel vm3, $0x1, v0  }
0x61: {  	[tilespmem:$0x8010] =	vst v5  }
0x62: {  	v6 =	vld [tilespmem:$0x800F];
	_ =	sdelay $0x4  }
0x63: {  	v5 =	vadd.s32 v5, v6  }
0x64: {  	[tilespmem:$0x8010] =	vst v5  }
0x65: {  	v61 =	vld [tilespmem:$0x800E];
	_ =	sdelay $0x4  }
0x66: {  	v5 =	vadd.s32 v5, v61  }
0x67: {  	[tilespmem:$0x8010] =	vst v5  }
0x68: {  	v62 =	vld [tilespmem:$0x800C];
	_ =	sdelay $0x4  }
0x69: {  	v5 =	vadd.s32 v5, v62  }
0x6a: {  	[tilespmem:$0x8010] =	vst v5  }
0x6b: {  	v63 =	vld [tilespmem:$0x8008];
	_ =	sdelay $0x4  }
0x6c: {  	v5 =	vadd.s32 v5, v63  }
0x6d: {  	(v2sf) =	vpush v5, $0xF;
	_ =	sdelay $0xe  }
0x6e: {  	s31 =	spop (v2sf)  }
0x6f: {  	p0 =	slt.s32 s31, $0x1  }
0x70: {  	s18 =	sadd.s32 @!p0 $0x1, s15  }
0x71: {  	p1 =	slt.s32 @!p0 s18, $0x78  }
0x72: {  	p1 =	por p0, p1  }
.Ltmp9:
0x73: {  	_ = 	snop;
	(pc) =	sbr.rel @p1 .LBB2_5-.Ltmp9, $4  }
0x74: {  	_ = 	snop  }
0x75: {  	s17 =	sshll.u32 @!p0 s15, $0x6  }
0x76: {  	[tilespmem:$0x8010] =	vst v5;
	s17 =	sshra.s32 @!p0 s17, $0x2  }
0x77: {  	[tilespmem:s17+$0x8100] =	vst @!p0 v4  }
0x78: {  	p0 =	sne.s32 s18, $0x1  }
.Ltmp10:
0x79: {  	_ = 	snop;
	(pc) =	sbr.rel @!p0 .LBB2_8-.Ltmp10, $4  }
0x7a: {  	[tilespmem:$0x10100] =	vst v2  }
0x7b: {  	[tilespmem:$0x10110] =	vst v2  }
0x7c: {  	s19 =	simm.s32 $0x0;
	[tilespmem:$0x10120] =	vst v2;
	s21 =	simm.s32 $0x0  }
0x7d: {  	[tilespmem:$0x10130] =	vst v2;
	s15 =	sadd.s32 $0xFFFFFFFF, s18;
	s17 =	simm.s32 $0x0;
	s20 =	sand.u32 $0xC0, s19  }
.LBB2_7:
0x7e: {  	p0 =	sne.s32 s15, $0x1;
	s22 =	sshrl.u32 s20, $0x2;
	v4 =	vld [tilespmem:s21+$0x8100]  }
0x7f: {  	v5 =	vld [tilespmem:s22+$0x10100];
	_ =	sdelay $0x1  }
.Ltmp11:
0x80: {  	(pc) =	sbr.rel @p0 .LBB2_7-.Ltmp11, $3  }
0x81: {  	_ =	sdelay $0x1  }
0x82: {  	s17 =	sadd.s32 $0x40, s17;
	v4 =	vmax.f32 v5, v4  }
0x83: {  	s15 =	sadd.s32 $0xFFFFFFFF, s15;
	s20 =	sand.u32 $0xC0, s17;
	s21 =	sshra.s32 s17, $0x2;
	[tilespmem:s22+$0x10100] =	vst v4  }
.LBB2_8:
0x84: {  	s15 =	sshrl.u32 s20, $0x2;
	v4 =	vld [tilespmem:s21+$0x8100]  }
0x85: {  	v5 =	vld [tilespmem:s15+$0x10100];
	_ =	sdelay $0x4  }
0x86: {  	v4 =	vmax.f32 v5, v4  }
0x87: {  	[tilespmem:s15+$0x10100] =	vst v4  }
0x88: {  	v4 =	vld [tilespmem:$0x10100]  }
0x89: {  	v5 =	vld [tilespmem:$0x10110]  }
0x8a: {  	v6 =	vld [tilespmem:$0x10120]  }
0x8b: {  	v7 =	vld [tilespmem:$0x10130];
	_ =	sdelay $0x2  }
0x8c: {  	v4 =	vmin.f32 v4, v5  }
0x8d: {  	v4 =	vmin.f32 v4, v6  }
0x8e: {  	v4 =	vmin.f32 v4, v7  }
0x8f: {  	[tilespmem:$0x8090] =	vst v4  }
0x90: {  	v5 =	vld [tilespmem:$0x808F];
	_ =	sdelay $0x3  }
0x91: {  	vm3 =	veq.s32 v3, $0x0  }
0x92: {  	v5 =	vsel vm3, $0x7F800000, v5  }
0x93: {  	v4 =	vmin.f32 v4, v5  }
0x94: {  	[tilespmem:$0x8090] =	vst v4  }
0x95: {  	v5 =	vld [tilespmem:$0x808E];
	_ =	sdelay $0x4  }
0x96: {  	v5 =	vsel vm0, $0x7F800000, v5  }
0x97: {  	v4 =	vmin.f32 v4, v5  }
0x98: {  	[tilespmem:$0x8090] =	vst v4  }
0x99: {  	v5 =	vld [tilespmem:$0x808C];
	_ =	sdelay $0x4  }
0x9a: {  	v5 =	vsel vm1, $0x7F800000, v5  }
0x9b: {  	v4 =	vmin.f32 v4, v5  }
0x9c: {  	[tilespmem:$0x8090] =	vst v4  }
0x9d: {  	v5 =	vld [tilespmem:$0x8088];
	_ =	sdelay $0x3  }
0x9e: {  	v6 =	vld [tilespmem:$0x10180]  }
0x9f: {  	v5 =	vsel vm2, $0x7F800000, v5  }
0xa0: {  	v4 =	vmin.f32 v4, v5  }
0xa1: {  	v5 =	vbroadcast v4, $0xF;
	_ =	sdelay $0x1  }
0xa2: {  	[tilespmem:$0x8090] =	vst v4;
	v4 =	vmax.f32 v6, v5  }
0xa3: {  	s17 =	simm.s32 $0x8100;
	[tilespmem:$0x10180] =	vst v4  }
0xa4: {  	v5 =	vld [tilespmem:s17+$0x0];
	_ =	sdelay $0x4  }
0xa5: {  	vm3 =	vge.f32 v5, v4  }
0xa6: {  	v6 =	vsel vm3, $0x1, v0  }
0xa7: {  	[tilespmem:$0x8010] =	vst v6  }
0xa8: {  	v7 =	vld [tilespmem:$0x800F];
	_ =	sdelay $0x4  }
0xa9: {  	v6 =	vadd.s32 v6, v7  }
0xaa: {  	[tilespmem:$0x8010] =	vst v6  }
0xab: {  	v7 =	vld [tilespmem:$0x800E];
	_ =	sdelay $0x4  }
0xac: {  	v6 =	vadd.s32 v6, v7  }
0xad: {  	[tilespmem:$0x8010] =	vst v6  }
0xae: {  	v7 =	vld [tilespmem:$0x800C];
	_ =	sdelay $0x4  }
0xaf: {  	v6 =	vadd.s32 v6, v7  }
0xb0: {  	[tilespmem:$0x8010] =	vst v6  }
0xb1: {  	v7 =	vld [tilespmem:$0x8008];
	_ =	sdelay $0x4  }
0xb2: {  	v6 =	vadd.s32 v6, v7  }
0xb3: {  	(v2sf) =	vpush v6, $0xF;
	_ =	sdelay $0xb  }
0xb4: {  	s18 =	sadd.s32 $0xFFFFFFFF, s18  }
0xb5: {  	p0 =	sne.s32 s18, $0x0  }
.Ltmp12:
0xb6: {  	_ = 	snop;
	(pc) =	sbr.rel @!p0 .LBB2_10-.Ltmp12, $4  }
0xb7: {  	s31 =	spop (v2sf)  }
0xb8: {  	p1 =	slt.s32 s31, $0x1  }
0xb9: {  	s15 =	simm.s32 @!p1 $0x1  }
0xba: {  	[tilespmem:$0x8010] =	vst v6;
	s20 =	simm.s32 @!p1 $0x0;
	s15 =	smov.u32 @p1 s19  }
.LBB2_9:
0xbb: {  	s19 =	smov.u32 s15  }
0xbc: {  	s18 =	sadd.s32 $0xFFFFFFFF, s18;
	s17 =	sadd.s32 $0x10, s17;
	[tilespmem:s20+$0x8100] =	vst @!p1 v5  }
0xbd: {  	p0 =	sne.s32 s18, $0x0;
	v5 =	vld [tilespmem:s17+$0x0];
	_ =	sdelay $0x4  }
0xbe: {  	vm3 =	vge.f32 v5, v4  }
0xbf: {  	v6 =	vsel vm3, $0x1, v0  }
0xc0: {  	[tilespmem:$0x8010] =	vst v6  }
0xc1: {  	v7 =	vld [tilespmem:$0x800F];
	_ =	sdelay $0x4  }
0xc2: {  	v6 =	vadd.s32 v6, v7  }
0xc3: {  	[tilespmem:$0x8010] =	vst v6  }
0xc4: {  	v7 =	vld [tilespmem:$0x800E];
	_ =	sdelay $0x4  }
0xc5: {  	v6 =	vadd.s32 v6, v7  }
0xc6: {  	[tilespmem:$0x8010] =	vst v6  }
0xc7: {  	v7 =	vld [tilespmem:$0x800C];
	_ =	sdelay $0x4  }
0xc8: {  	v6 =	vadd.s32 v6, v7  }
0xc9: {  	[tilespmem:$0x8010] =	vst v6  }
0xca: {  	v7 =	vld [tilespmem:$0x8008];
	_ =	sdelay $0x4  }
0xcb: {  	v6 =	vadd.s32 v6, v7  }
0xcc: {  	[tilespmem:$0x8010] =	vst v6;
	(v2sf) =	vpush v6, $0xF;
	_ =	sdelay $0xd  }
.Ltmp13:
0xcd: {  	(pc) =	sbr.rel @p0 .LBB2_9-.Ltmp13, $4  }
0xce: {  	s15 =	spop (v2sf)  }
0xcf: {  	p1 =	slt.s32 s15, $0x1  }
0xd0: {  	s20 =	sshll.u32 @!p1 s19, $0x6;
	s15 =	sadd.s32 @!p1 $0x1, s19  }
0xd1: {  	s20 =	sshra.s32 @!p1 s20, $0x2;
	s15 =	smov.u32 @p1 s19  }
.LBB2_10:
.Ltmp14:
0xd2: {  	(pc) =	sbr.rel .LBB2_11-.Ltmp14, $2  }
0xd3: {  	_ =	sdelay $0x2  }
0xd4: {  	[tilespmem:s20+$0x8100] =	vst @!p1 v5  }
.LBB2_13:
0xd5: {  	p0 =	slt.s32 s15, $0x1  }
.Ltmp15:
0xd6: {  	_ = 	snop;
	(pc) =	sbr.rel @p0 .LBB2_17-.Ltmp15, $4  }
0xd7: {  	[tilespmem:$0x10100] =	vst v2  }
0xd8: {  	[tilespmem:$0x10110] =	vst v2  }
0xd9: {  	[tilespmem:$0x10120] =	vst v2  }
0xda: {  	[tilespmem:$0x10130] =	vst v2;
	s13 =	simm.s32 $0x0  }
0xdb: {  	p0 =	sne.s32 s15, $0x1  }
.Ltmp16:
0xdc: {  	_ = 	snop;
	(pc) =	sbr.rel @!p0 .LBB2_16-.Ltmp16, $2  }
0xdd: {  	_ =	sdelay $0x2  }
0xde: {  	s16 =	sand.u32 $0xC0, s13;
	s17 =	sshra.s32 s13, $0x2;
	s14 =	sadd.s32 $0xFFFFFFFF, s15  }
.LBB2_15:
0xdf: {  	p0 =	sne.s32 s14, $0x1;
	s18 =	sshrl.u32 s16, $0x2;
	v4 =	vld [tilespmem:s17+$0x8100]  }
0xe0: {  	v5 =	vld [tilespmem:s18+$0x10100];
	_ =	sdelay $0x1  }
.Ltmp17:
0xe1: {  	(pc) =	sbr.rel @p0 .LBB2_15-.Ltmp17, $3  }
0xe2: {  	_ =	sdelay $0x1  }
0xe3: {  	s13 =	sadd.s32 $0x40, s13;
	v4 =	vmax.f32 v5, v4  }
0xe4: {  	s14 =	sadd.s32 $0xFFFFFFFF, s14;
	s16 =	sand.u32 $0xC0, s13;
	s17 =	sshra.s32 s13, $0x2;
	[tilespmem:s18+$0x10100] =	vst v4  }
.LBB2_16:
0xe5: {  	s13 =	sshrl.u32 s16, $0x2;
	v4 =	vld [tilespmem:s17+$0x8100]  }
0xe6: {  	v5 =	vld [tilespmem:s13+$0x10100];
	_ =	sdelay $0x4  }
0xe7: {  	v4 =	vmax.f32 v5, v4  }
0xe8: {  	[tilespmem:s13+$0x10100] =	vst v4  }
.LBB2_17:
0xe9: {  	v4 =	vld [tilespmem:$0x10100]  }
0xea: {  	v5 =	vld [tilespmem:$0x10110]  }
0xeb: {  	v6 =	vld [tilespmem:$0x10120]  }
0xec: {  	v7 =	vld [tilespmem:$0x10130];
	_ =	sdelay $0x2  }
0xed: {  	v4 =	vmin.f32 v4, v5  }
0xee: {  	v4 =	vmin.f32 v4, v6  }
0xef: {  	v4 =	vmin.f32 v4, v7  }
0xf0: {  	[tilespmem:$0x8090] =	vst v4  }
0xf1: {  	v5 =	vld [tilespmem:$0x808F];
	_ =	sdelay $0x3  }
0xf2: {  	vm3 =	veq.s32 v3, $0x0  }
0xf3: {  	v5 =	vsel vm3, $0x7F800000, v5  }
0xf4: {  	v4 =	vmin.f32 v4, v5  }
0xf5: {  	[tilespmem:$0x8090] =	vst v4  }
0xf6: {  	v5 =	vld [tilespmem:$0x808E];
	_ =	sdelay $0x4  }
0xf7: {  	v5 =	vsel vm0, $0x7F800000, v5  }
0xf8: {  	v4 =	vmin.f32 v4, v5  }
0xf9: {  	[tilespmem:$0x8090] =	vst v4  }
0xfa: {  	v5 =	vld [tilespmem:$0x808C];
	_ =	sdelay $0x4  }
0xfb: {  	v5 =	vsel vm1, $0x7F800000, v5  }
0xfc: {  	v4 =	vmin.f32 v4, v5  }
0xfd: {  	[tilespmem:$0x8090] =	vst v4  }
0xfe: {  	v5 =	vld [tilespmem:$0x8088];
	_ =	sdelay $0x3  }
0xff: {  	v6 =	vld [tilespmem:$0x10180]  }
0x100: {  	p0 =	sgt.s32 s15, $0x0;
	v5 =	vsel vm2, $0x7F800000, v5  }
.Ltmp18:
0x101: {  	v4 =	vmin.f32 v4, v5;
	(pc) =	sbr.rel @!p0 .LBB2_18-.Ltmp18, $3  }
0x102: {  	v5 =	vbroadcast v4, $0xF;
	_ =	sdelay $0x1  }
0x103: {  	[tilespmem:$0x8090] =	vst v4;
	v4 =	vmax.f32 v6, v5  }
0x104: {  	s13 =	simm.s32 $0x0;
	s16 =	simm.s32 $0x8100;
	s14 =	simm.s32 $0x0;
	[tilespmem:$0x10180] =	vst v4  }
0x105: {  	v5 =	vld [tilespmem:s16+$0x0];
	_ =	sdelay $0x4  }
0x106: {  	vm3 =	vge.f32 v5, v4  }
0x107: {  	v6 =	vsel vm3, $0x1, v0  }
0x108: {  	[tilespmem:$0x8010] =	vst v6  }
0x109: {  	v7 =	vld [tilespmem:$0x800F];
	_ =	sdelay $0x4  }
0x10a: {  	v6 =	vadd.s32 v6, v7  }
0x10b: {  	[tilespmem:$0x8010] =	vst v6  }
0x10c: {  	v7 =	vld [tilespmem:$0x800E];
	_ =	sdelay $0x4  }
0x10d: {  	v6 =	vadd.s32 v6, v7  }
0x10e: {  	[tilespmem:$0x8010] =	vst v6  }
0x10f: {  	v7 =	vld [tilespmem:$0x800C];
	_ =	sdelay $0x4  }
0x110: {  	v6 =	vadd.s32 v6, v7  }
0x111: {  	[tilespmem:$0x8010] =	vst v6  }
0x112: {  	v7 =	vld [tilespmem:$0x8008];
	_ =	sdelay $0x4  }
0x113: {  	v6 =	vadd.s32 v6, v7  }
0x114: {  	(v2sf) =	vpush v6, $0xF;
	_ =	sdelay $0xb  }
0x115: {  	s15 =	sadd.s32 $0xFFFFFFFF, s15  }
0x116: {  	p0 =	seq.s32 s15, $0x0  }
.Ltmp19:
0x117: {  	_ = 	snop;
	(pc) =	sbr.rel @p0 .LBB2_23-.Ltmp19, $4  }
0x118: {  	s14 =	spop (v2sf)  }
0x119: {  	p1 =	slt.s32 s14, $0x1  }
0x11a: {  	s17 =	sshll.u32 @!p1 s13, $0x6;
	s14 =	sadd.s32 @!p1 $0x1, s13  }
0x11b: {  	[tilespmem:$0x8010] =	vst v6;
	s18 =	sshra.s32 @!p1 s17, $0x2;
	s14 =	smov.u32 @p1 s13  }
.LBB2_22:
0x11c: {  	s17 =	smov.u32 s14  }
0x11d: {  	s15 =	sadd.s32 $0xFFFFFFFF, s15;
	s16 =	sadd.s32 $0x10, s16;
	[tilespmem:s18+$0x8100] =	vst @!p1 v5  }
0x11e: {  	p0 =	seq.s32 s15, $0x0;
	v5 =	vld [tilespmem:s16+$0x0];
	_ =	sdelay $0x4  }
0x11f: {  	vm3 =	vge.f32 v5, v4  }
0x120: {  	v6 =	vsel vm3, $0x1, v0  }
0x121: {  	[tilespmem:$0x8010] =	vst v6  }
0x122: {  	v7 =	vld [tilespmem:$0x800F];
	_ =	sdelay $0x4  }
0x123: {  	v6 =	vadd.s32 v6, v7  }
0x124: {  	[tilespmem:$0x8010] =	vst v6  }
0x125: {  	v7 =	vld [tilespmem:$0x800E];
	_ =	sdelay $0x4  }
0x126: {  	v6 =	vadd.s32 v6, v7  }
0x127: {  	[tilespmem:$0x8010] =	vst v6  }
0x128: {  	v7 =	vld [tilespmem:$0x800C];
	_ =	sdelay $0x4  }
0x129: {  	v6 =	vadd.s32 v6, v7  }
0x12a: {  	[tilespmem:$0x8010] =	vst v6  }
0x12b: {  	v7 =	vld [tilespmem:$0x8008];
	_ =	sdelay $0x4  }
0x12c: {  	v6 =	vadd.s32 v6, v7  }
0x12d: {  	[tilespmem:$0x8010] =	vst v6;
	(v2sf) =	vpush v6, $0xF;
	_ =	sdelay $0xd  }
.Ltmp20:
0x12e: {  	(pc) =	sbr.rel @!p0 .LBB2_22-.Ltmp20, $4  }
0x12f: {  	s14 =	spop (v2sf)  }
0x130: {  	p1 =	slt.s32 s14, $0x1  }
0x131: {  	s18 =	sshll.u32 @!p1 s17, $0x6;
	s14 =	sadd.s32 @!p1 $0x1, s17  }
0x132: {  	s18 =	sshra.s32 @!p1 s18, $0x2;
	s14 =	smov.u32 @p1 s17  }
.LBB2_23:
0x133: {  	[tilespmem:s18+$0x8100] =	vst @!p1 v5  }
.LBB2_18:
.Ltmp21:
0x134: {  	(pc) =	sbr.rel .LBB2_19-.Ltmp21, $3  }
0x135: {  	_ =	sdelay $0x1  }
0x136: {  	s17 =	simm.f32 $+Inf  }
0x137: {  	p0 =	slt.s32 s14, $0x1;
	s15 =	simm.s32 $0x0;
	s16 =	simm.s32 $0x0  }
.LBB2_20:
0x138: {  	s18 =	smov.u32 s13  }
.LBB2_33:
0x139: {  	p1 =	slt.s32 s13, $0x32;
	s16 =	sadd.s32 $0x1, s16  }
0x13a: {  	s15 =	smov.u32 @p1 s13;
	p1 =	sne.s32 s16, $0x32  }
.Ltmp22:
0x13b: {  	_ = 	snop;
	(pc) =	sbr.rel @!p1 .LBB2_34-.Ltmp22, $2  }
0x13c: {  	_ =	sdelay $0x2  }
0x13d: {  	s13 =	smov.u32 s18  }
.LBB2_19:
0x13e: {  	p1 =	sgt.s32 s13, $0x31  }
.Ltmp23:
0x13f: {  	_ = 	snop;
	(pc) =	sbr.rel @p1 .LBB2_20-.Ltmp23, $1  }
0x140: {  	_ =	sdelay $0x3  }
.Ltmp24:
0x141: {  	(pc) =	sbr.rel @p0 .LBB2_28-.Ltmp24, $2  }
0x142: {  	_ =	sdelay $0x2  }
0x143: {  	v4 =	vimm.f32 $-Inf  }
0x144: {  	s18 =	simm.s32 $0x8100  }
0x145: {  	p1 =	sne.s32 s14, $0x1;
	v6 =	vld [tilespmem:s18+$0x0]  }
.Ltmp25:
0x146: {  	_ = 	snop;
	(pc) =	sbr.rel @!p1 .LBB2_27-.Ltmp25, $3  }
0x147: {  	_ =	sdelay $0x1  }
0x148: {  	v5 =	vmov s17  }
0x149: {  	s17 =	sadd.s32 $0xFFFFFFFF, s14;
	s18 =	simm.s32 $0x8110;
	vm3 =	vlt.f32 v6, v5;
	v6 =	vmax.f32 v4, v6  }
.LBB2_26:
0x14a: {  	v7 =	vld [tilespmem:s18+$0x0];
	p1 =	sne.s32 s17, $0x1;
	s17 =	sadd.s32 $0xFFFFFFFF, s17;
	v4 =	vsel vm3, v6, v4  }
.Ltmp26:
0x14b: {  	(pc) =	sbr.rel @p1 .LBB2_26-.Ltmp26, $2  }
0x14c: {  	_ =	sdelay $0x2  }
0x14d: {  	s18 =	sadd.s32 $0x10, s18;
	vm3 =	vlt.f32 v7, v5;
	v6 =	vmax.f32 v4, v7  }
.LBB2_27:
0x14e: {  	v4 =	vsel vm3, v6, v4  }
.LBB2_28:
0x14f: {  	[tilespmem:$0x8090] =	vst v4  }
0x150: {  	v5 =	vld [tilespmem:$0x808F];
	_ =	sdelay $0x3  }
0x151: {  	vm3 =	veq.s32 v3, $0x0  }
0x152: {  	v5 =	vsel vm3, $0xFF800000, v5  }
0x153: {  	v4 =	vmax.f32 v4, v5  }
0x154: {  	[tilespmem:$0x8090] =	vst v4  }
0x155: {  	v5 =	vld [tilespmem:$0x808E];
	_ =	sdelay $0x4  }
0x156: {  	v5 =	vsel vm0, $0xFF800000, v5  }
0x157: {  	v4 =	vmax.f32 v4, v5  }
0x158: {  	[tilespmem:$0x8090] =	vst v4  }
0x159: {  	v5 =	vld [tilespmem:$0x808C];
	_ =	sdelay $0x4  }
0x15a: {  	v5 =	vsel vm1, $0xFF800000, v5  }
0x15b: {  	v4 =	vmax.f32 v4, v5  }
0x15c: {  	[tilespmem:$0x8090] =	vst v4  }
0x15d: {  	v5 =	vld [tilespmem:$0x8088];
	_ =	sdelay $0x4  }
0x15e: {  	v5 =	vsel vm2, $0xFF800000, v5  }
0x15f: {  	v5 =	vmax.f32 v4, v5  }
0x160: {  	(v2sf) =	vpush v5, $0xF;
	_ =	sdelay $0xa  }
.Ltmp27:
0x161: {  	_ = 	snop;
	(pc) =	sbr.rel @p0 .LBB2_32-.Ltmp27, $2  }
0x162: {  	_ =	sdelay $0x2  }
0x163: {  	v4 =	vimm.s32 $0x0;
	[tilespmem:$0x8090] =	vst v5;
	s17 =	spop (v2sf)  }
0x164: {  	s18 =	simm.s32 $0x8100  }
0x165: {  	p1 =	sne.s32 s14, $0x1;
	v6 =	vld [tilespmem:s18+$0x0]  }
.Ltmp28:
0x166: {  	_ = 	snop;
	(pc) =	sbr.rel @!p1 .LBB2_31-.Ltmp28, $3  }
0x167: {  	_ = 	snop  }
0x168: {  	v5 =	vbroadcast v5, $0xF;
	_ =	sdelay $0x1  }
0x169: {  	s19 =	simm.s32 $0x8110;
	s18 =	sadd.s32 $0xFFFFFFFF, s14;
	vm3 =	veq.f32 v6, v5  }
.LBB2_30:
0x16a: {  	v6 =	vld [tilespmem:s19+$0x0];
	p1 =	sne.s32 s18, $0x1;
	s18 =	sadd.s32 $0xFFFFFFFF, s18;
	v7 =	vsel vm3, $0x1, v0  }
.Ltmp29:
0x16b: {  	v4 =	vadd.s32 v7, v4;
	(pc) =	sbr.rel @p1 .LBB2_30-.Ltmp29, $2  }
0x16c: {  	_ =	sdelay $0x2  }
0x16d: {  	s19 =	sadd.s32 $0x10, s19;
	vm3 =	veq.f32 v6, v5  }
.LBB2_31:
0x16e: {  	v5 =	vsel vm3, $0x1, v0  }
0x16f: {  	v4 =	vadd.s32 v5, v4  }
.LBB2_32:
0x170: {  	[tilespmem:$0x8010] =	vst v4  }
0x171: {  	v5 =	vld [tilespmem:$0x800F];
	_ =	sdelay $0x4  }
0x172: {  	v4 =	vadd.s32 v4, v5  }
0x173: {  	[tilespmem:$0x8010] =	vst v4  }
0x174: {  	v5 =	vld [tilespmem:$0x800E];
	_ =	sdelay $0x4  }
0x175: {  	v4 =	vadd.s32 v4, v5  }
0x176: {  	[tilespmem:$0x8010] =	vst v4  }
0x177: {  	v5 =	vld [tilespmem:$0x800C];
	_ =	sdelay $0x4  }
0x178: {  	v4 =	vadd.s32 v4, v5  }
0x179: {  	[tilespmem:$0x8010] =	vst v4  }
0x17a: {  	v5 =	vld [tilespmem:$0x8008];
	_ =	sdelay $0x4  }
0x17b: {  	v4 =	vadd.s32 v4, v5  }
0x17c: {  	(v2sf) =	vpush v4, $0xF;
	_ =	sdelay $0xb  }
.Ltmp30:
0x17d: {  	_ = 	snop;
	(pc) =	sbr.rel .LBB2_33-.Ltmp30, $3  }
0x17e: {  	_ =	sdelay $0x1  }
0x17f: {  	s18 =	spop (v2sf)  }
0x180: {  	[tilespmem:$0x8010] =	vst v4;
	s18 =	sadd.s32 s13, s18  }
.LBB2_34:
.Ltmp31:
0x181: {  	(pc) =	sbr.rel .LBB2_35-.Ltmp31, $3  }
0x182: {  	_ =	sdelay $0x1  }
0x183: {  	s13 =	ssub.s32 $0x32, s15  }
0x184: {  	v4 =	vmov s17;
	s15 =	simm.s32 $0x0;
	s14 =	simm.s32 $0x0;
	v5 =	vmov s13;
	s13 =	simm.s32 $0x0  }
.LBB2_39:
0x185: {  	v6 =	vld [tilespmem:s16+$0x0]  }
0x186: {  	v7 =	vld [tilespmem:s16+$0x10]  }
0x187: {  	v8 =	vld [tilespmem:s16+$0x20]  }
0x188: {  	v9 =	vld [tilespmem:s16+$0x30]  }
0x189: {  	v10 =	vld [tilespmem:s16+$0x40]  }
0x18a: {  	v11 =	vld [tilespmem:s16+$0x50];
	vm3 =	vgt.f32 v6, v4  }
0x18b: {  	v12 =	vld [tilespmem:s16+$0x60];
	v6 =	vnsel vm3, $0x0, v6;
	vm3 =	vgt.f32 v7, v4  }
0x18c: {  	[tilespmem:s16+$0x0] =	vst v6;
	v6 =	vnsel vm3, $0x0, v7;
	vm3 =	vgt.f32 v8, v4;
	v7 =	vld [tilespmem:s16+$0x70]  }
0x18d: {  	v57 =	vld [tilespmem:s16+$0x80];
	[tilespmem:s16+$0x10] =	vst v6;
	v6 =	vnsel vm3, $0x0, v8;
	vm3 =	vgt.f32 v9, v4  }
0x18e: {  	v58 =	vld [tilespmem:s16+$0x90];
	[tilespmem:s16+$0x20] =	vst v6;
	v6 =	vnsel vm3, $0x0, v9;
	vm3 =	vgt.f32 v10, v4  }
0x18f: {  	v59 =	vld [tilespmem:s16+$0xA0];
	[tilespmem:s16+$0x30] =	vst v6;
	v6 =	vnsel vm3, $0x0, v10;
	vm3 =	vgt.f32 v11, v4  }
0x190: {  	v60 =	vld [tilespmem:s16+$0xB0];
	[tilespmem:s16+$0x40] =	vst v6;
	v6 =	vnsel vm3, $0x0, v11;
	vm3 =	vgt.f32 v12, v4  }
0x191: {  	v61 =	vld [tilespmem:s16+$0xC0];
	[tilespmem:s16+$0x50] =	vst v6;
	v6 =	vnsel vm3, $0x0, v12;
	vm3 =	vgt.f32 v7, v4  }
0x192: {  	[tilespmem:s16+$0x60] =	vst v6;
	v6 =	vnsel vm3, $0x0, v7;
	vm3 =	vgt.f32 v57, v4;
	v7 =	vld [tilespmem:s16+$0xD0]  }
0x193: {  	v62 =	vld [tilespmem:s16+$0xE0];
	[tilespmem:s16+$0x70] =	vst v6;
	v6 =	vnsel vm3, $0x0, v57;
	vm3 =	vgt.f32 v58, v4  }
0x194: {  	v63 =	vld [tilespmem:s16+$0xF0];
	[tilespmem:s16+$0x80] =	vst v6;
	v6 =	vnsel vm3, $0x0, v58;
	vm3 =	vgt.f32 v59, v4  }
0x195: {  	[tilespmem:s16+$0x90] =	vst v6;
	v6 =	vnsel vm3, $0x0, v59;
	vm3 =	vgt.f32 v60, v4  }
0x196: {  	[tilespmem:s16+$0xA0] =	vst v6;
	v6 =	vnsel vm3, $0x0, v60;
	vm3 =	vgt.f32 v61, v4  }
0x197: {  	[tilespmem:s16+$0xB0] =	vst v6;
	v6 =	vnsel vm3, $0x0, v61;
	vm3 =	vgt.f32 v7, v4  }
0x198: {  	[tilespmem:s16+$0xC0] =	vst v6;
	v6 =	vnsel vm3, $0x0, v7;
	vm3 =	vgt.f32 v62, v4  }
0x199: {  	[tilespmem:s16+$0xD0] =	vst v6;
	v6 =	vnsel vm3, $0x0, v62;
	vm3 =	vgt.f32 v63, v4  }
0x19a: {  	[tilespmem:s16+$0xE0] =	vst v6;
	v6 =	vnsel vm3, $0x0, v63  }
0x19b: {  	[tilespmem:s16+$0xF0] =	vst v6  }
.LBB2_40:
0x19c: {  	s14 =	sadd.s32 $0x1, s14  }
0x19d: {  	p0 =	sne.s32 s14, $0x80  }
.Ltmp32:
0x19e: {  	_ = 	snop;
	(pc) =	sbr.rel @!p0 .LBB2_41-.Ltmp32, $1  }
0x19f: {  	_ =	sdelay $0x3  }
.LBB2_35:
0x1a0: {  	s16 =	sshll.u32 s14, $0x8  }
0x1a1: {  	s16 =	sand.u32 $0x3FFFFF00, s16  }
0x1a2: {  	v6 =	vld [tilespmem:s16+$0x0]  }
0x1a3: {  	v7 =	vld [tilespmem:s16+$0x10]  }
0x1a4: {  	v8 =	vld [tilespmem:s16+$0x20]  }
0x1a5: {  	v9 =	vld [tilespmem:s16+$0x30]  }
0x1a6: {  	v10 =	vld [tilespmem:s16+$0x40]  }
0x1a7: {  	v11 =	vld [tilespmem:s16+$0x50]  }
0x1a8: {  	vm3 =	veq.f32 v6, v4;
	vm4 =	veq.f32 v7, v4;
	v6 =	vld [tilespmem:s16+$0x60]  }
0x1a9: {  	vm10 =	veq.f32 v8, v4;
	v7 =	vld [tilespmem:s16+$0x70];
	vm3 =	vmor vm3, vm4  }
0x1aa: {  	v58 =	vld [tilespmem:s16+$0x80];
	vm11 =	veq.f32 v9, v4;
	vm3 =	vmor vm3, vm10  }
0x1ab: {  	v59 =	vld [tilespmem:s16+$0x90];
	vm12 =	veq.f32 v10, v4;
	vm3 =	vmor vm3, vm11  }
0x1ac: {  	v60 =	vld [tilespmem:s16+$0xA0];
	vm13 =	veq.f32 v11, v4;
	vm3 =	vmor vm3, vm12  }
0x1ad: {  	vm3 =	vmor vm3, vm13;
	vm14 =	veq.f32 v6, v4;
	v6 =	vld [tilespmem:s16+$0xB0]  }
0x1ae: {  	vm15 =	veq.f32 v7, v4;
	v7 =	vld [tilespmem:s16+$0xC0];
	vm3 =	vmor vm3, vm14  }
0x1af: {  	v61 =	vld [tilespmem:s16+$0xD0];
	vm8 =	veq.f32 v58, v4;
	vm3 =	vmor vm3, vm15  }
0x1b0: {  	v62 =	vld [tilespmem:s16+$0xE0];
	vm9 =	veq.f32 v59, v4;
	vm3 =	vmor vm3, vm8  }
0x1b1: {  	v63 =	vld [tilespmem:s16+$0xF0];
	vm10 =	veq.f32 v60, v4;
	vm3 =	vmor vm3, vm9  }
0x1b2: {  	vm3 =	vmor vm3, vm10;
	vm11 =	veq.f32 v6, v4  }
0x1b3: {  	vm12 =	veq.f32 v7, v4;
	vm3 =	vmor vm3, vm11  }
0x1b4: {  	vm13 =	veq.f32 v61, v4;
	vm3 =	vmor vm3, vm12  }
0x1b5: {  	vm14 =	veq.f32 v62, v4;
	vm3 =	vmor vm3, vm13  }
0x1b6: {  	vm15 =	veq.f32 v63, v4;
	vm3 =	vmor vm3, vm14  }
0x1b7: {  	vm3 =	vmor vm3, vm15  }
0x1b8: {  	v6 =	vsel vm3, $0x1, v0  }
0x1b9: {  	[tilespmem:$0x8010] =	vst v6  }
0x1ba: {  	v7 =	vld [tilespmem:$0x800F];
	_ =	sdelay $0x4  }
0x1bb: {  	v6 =	vadd.s32 v6, v7  }
0x1bc: {  	[tilespmem:$0x8010] =	vst v6  }
0x1bd: {  	v7 =	vld [tilespmem:$0x800E];
	_ =	sdelay $0x4  }
0x1be: {  	v6 =	vadd.s32 v7, v6  }
0x1bf: {  	[tilespmem:$0x8010] =	vst v6  }
0x1c0: {  	v7 =	vld [tilespmem:$0x800C];
	_ =	sdelay $0x4  }
0x1c1: {  	v6 =	vadd.s32 v6, v7  }
0x1c2: {  	[tilespmem:$0x8010] =	vst v6  }
0x1c3: {  	v7 =	vld [tilespmem:$0x8008];
	_ =	sdelay $0x4  }
0x1c4: {  	v6 =	vadd.s32 v6, v7  }
0x1c5: {  	(v2sf) =	vpush v6, $0xF;
	_ =	sdelay $0xe  }
0x1c6: {  	s17 =	spop (v2sf)  }
0x1c7: {  	p0 =	slt.s32 s17, $0x1  }
.Ltmp33:
0x1c8: {  	_ = 	snop;
	(pc) =	sbr.rel @p0 .LBB2_39-.Ltmp33, $2  }
0x1c9: {  	_ =	sdelay $0x2  }
0x1ca: {  	[tilespmem:$0x8010] =	vst v6  }
0x1cb: {  	s17 =	sand.u32 $0x80, s13  }
0x1cc: {  	s18 =	sand.u32 $0x70, s13;
	s17 =	sadd.s32 s17, s16  }
0x1cd: {  	s17 =	sadd.s32 s18, s17  }
0x1ce: {  	v6 =	vld [tilespmem:s17+$0x0];
	_ =	sdelay $0x4  }
0x1cf: {  	vm3 =	veq.f32 v6, v4  }
0x1d0: {  	v7 =	vsel vm3, $0x1, v0  }
0x1d1: {  	[tilespmem:$0x8010] =	vst v7  }
0x1d2: {  	v8 =	vld [tilespmem:$0x800F];
	_ =	sdelay $0x4  }
0x1d3: {  	v8 =	vadd.s32 v7, v8  }
0x1d4: {  	[tilespmem:$0x8010] =	vst v8  }
0x1d5: {  	v9 =	vld [tilespmem:$0x800E];
	_ =	sdelay $0x4  }
0x1d6: {  	v8 =	vadd.s32 v8, v9  }
0x1d7: {  	[tilespmem:$0x8010] =	vst v8  }
0x1d8: {  	v9 =	vld [tilespmem:$0x800C];
	_ =	sdelay $0x4  }
0x1d9: {  	v8 =	vadd.s32 v8, v9  }
0x1da: {  	[tilespmem:$0x8010] =	vst v8  }
0x1db: {  	v9 =	vld [tilespmem:$0x8008];
	_ =	sdelay $0x1  }
0x1dc: {  	v10 =	vsel vm3, $0xFFFFFFFF, v0  }
0x1dd: {  	v10 =	vadd.s32 s15, v10  }
0x1de: {  	v8 =	vadd.s32 v8, v10  }
0x1df: {  	v8 =	vadd.s32 v9, v8  }
0x1e0: {  	vm4 =	vlt.s32 v8, v5  }
0x1e1: {  	vm5 =	vgt.f32 v6, v4;
	vm3 =	vmand vm3, vm4  }
0x1e2: {  	vm3 =	vmor vm5, vm3  }
0x1e3: {  	v6 =	vnsel vm3, $0x0, v6  }
0x1e4: {  	[tilespmem:s17+$0x0] =	vst v6  }
0x1e5: {  	[tilespmem:$0x8010] =	vst v7  }
0x1e6: {  	v6 =	vld [tilespmem:$0x800F];
	_ =	sdelay $0x4  }
0x1e7: {  	v6 =	vadd.s32 v7, v6  }
0x1e8: {  	[tilespmem:$0x8010] =	vst v6  }
0x1e9: {  	v7 =	vld [tilespmem:$0x800E];
	_ =	sdelay $0x4  }
0x1ea: {  	v6 =	vadd.s32 v6, v7  }
0x1eb: {  	[tilespmem:$0x8010] =	vst v6  }
0x1ec: {  	v7 =	vld [tilespmem:$0x800C];
	_ =	sdelay $0x4  }
0x1ed: {  	v6 =	vadd.s32 v6, v7  }
0x1ee: {  	[tilespmem:$0x8010] =	vst v6  }
0x1ef: {  	v7 =	vld [tilespmem:$0x8008];
	_ =	sdelay $0x2  }
0x1f0: {  	s30 =	simm.s32 $0x10  }
0x1f1: {  	s31 =	sand.u32 $0x80, s30  }
0x1f2: {  	s18 =	sadd.s32 s31, s16;
	s17 =	sand.u32 $0x70, s30;
	v6 =	vadd.s32 v6, v7  }
0x1f3: {  	s18 =	sadd.s32 s17, s18;
	[tilespmem:$0x8010] =	vst v6;
	(v2sf) =	vpush v6, $0xF  }
0x1f4: {  	v7 =	vld [tilespmem:s18+$0x0];
	_ =	sdelay $0x4  }
0x1f5: {  	vm3 =	veq.f32 v7, v4  }
0x1f6: {  	v6 =	vsel vm3, $0x1, v0  }
0x1f7: {  	[tilespmem:$0x8010] =	vst v6  }
0x1f8: {  	v8 =	vld [tilespmem:$0x800F];
	_ =	sdelay $0x4  }
0x1f9: {  	v8 =	vadd.s32 v6, v8  }
0x1fa: {  	s17 =	simm.s32 $0x20;
	[tilespmem:$0x8010] =	vst v8;
	s19 =	spop (v2sf)  }
.LBB2_37:
0x1fb: {  	p0 =	seq.s32 s17, $0xF0  }
0x1fc: {  	v9 =	vld [tilespmem:$0x800E];
	s15 =	sadd.s32 s15, s19;
	s19 =	smov.u32 s17;
	s17 =	sadd.s32 $0x10, s17  }
0x1fd: {  	_ =	sdelay $0x3  }
0x1fe: {  	v8 =	vadd.s32 v8, v9  }
0x1ff: {  	[tilespmem:$0x8010] =	vst v8  }
0x200: {  	v9 =	vld [tilespmem:$0x800C];
	_ =	sdelay $0x4  }
0x201: {  	v8 =	vadd.s32 v8, v9  }
0x202: {  	[tilespmem:$0x8010] =	vst v8  }
0x203: {  	v9 =	vld [tilespmem:$0x8008];
	_ =	sdelay $0x1  }
0x204: {  	v10 =	vsel vm3, $0xFFFFFFFF, v0  }
0x205: {  	v10 =	vadd.s32 s15, v10  }
0x206: {  	v8 =	vadd.s32 v8, v10  }
0x207: {  	v8 =	vadd.s32 v9, v8  }
0x208: {  	vm4 =	vlt.s32 v8, v5  }
0x209: {  	vm5 =	vgt.f32 v7, v4;
	vm3 =	vmand vm3, vm4  }
0x20a: {  	vm3 =	vmor vm5, vm3  }
0x20b: {  	v7 =	vnsel vm3, $0x0, v7  }
0x20c: {  	[tilespmem:s18+$0x0] =	vst v7  }
0x20d: {  	[tilespmem:$0x8010] =	vst v6  }
0x20e: {  	v7 =	vld [tilespmem:$0x800F];
	_ =	sdelay $0x4  }
0x20f: {  	v6 =	vadd.s32 v6, v7  }
0x210: {  	[tilespmem:$0x8010] =	vst v6  }
0x211: {  	v7 =	vld [tilespmem:$0x800E];
	_ =	sdelay $0x4  }
0x212: {  	v6 =	vadd.s32 v6, v7  }
0x213: {  	[tilespmem:$0x8010] =	vst v6  }
0x214: {  	v7 =	vld [tilespmem:$0x800C];
	_ =	sdelay $0x4  }
0x215: {  	v6 =	vadd.s32 v6, v7  }
0x216: {  	[tilespmem:$0x8010] =	vst v6  }
0x217: {  	v7 =	vld [tilespmem:$0x8008];
	_ =	sdelay $0x3  }
0x218: {  	s18 =	sand.u32 $0x80, s19  }
0x219: {  	s19 =	sand.u32 $0x70, s19;
	s18 =	sadd.s32 s18, s16;
	v6 =	vadd.s32 v6, v7  }
0x21a: {  	s18 =	sadd.s32 s19, s18;
	[tilespmem:$0x8010] =	vst v6;
	(v2sf) =	vpush v6, $0xF  }
0x21b: {  	v7 =	vld [tilespmem:s18+$0x0];
	_ =	sdelay $0x4  }
0x21c: {  	vm3 =	veq.f32 v7, v4  }
0x21d: {  	v6 =	vsel vm3, $0x1, v0  }
0x21e: {  	[tilespmem:$0x8010] =	vst v6  }
0x21f: {  	v8 =	vld [tilespmem:$0x800F];
	_ =	sdelay $0x1  }
.Ltmp34:
0x220: {  	(pc) =	sbr.rel @!p0 .LBB2_37-.Ltmp34, $3  }
0x221: {  	_ =	sdelay $0x1  }
0x222: {  	v8 =	vadd.s32 v6, v8  }
0x223: {  	[tilespmem:$0x8010] =	vst v8;
	s19 =	spop (v2sf)  }
0x224: {  	v9 =	vld [tilespmem:$0x800E];
	_ =	sdelay $0x4  }
0x225: {  	v8 =	vadd.s32 v8, v9  }
0x226: {  	[tilespmem:$0x8010] =	vst v8  }
0x227: {  	v62 =	vld [tilespmem:$0x800C];
	_ =	sdelay $0x4  }
0x228: {  	v8 =	vadd.s32 v8, v62  }
0x229: {  	[tilespmem:$0x8010] =	vst v8  }
0x22a: {  	v63 =	vld [tilespmem:$0x8008];
	_ =	sdelay $0x1  }
0x22b: {  	s15 =	sadd.s32 s15, s19;
	v10 =	vsel vm3, $0xFFFFFFFF, v0  }
0x22c: {  	v10 =	vadd.s32 s15, v10  }
0x22d: {  	v8 =	vadd.s32 v8, v10  }
0x22e: {  	v8 =	vadd.s32 v63, v8  }
0x22f: {  	vm4 =	vlt.s32 v8, v5  }
0x230: {  	vm5 =	vgt.f32 v7, v4;
	vm3 =	vmand vm3, vm4  }
0x231: {  	vm3 =	vmor vm5, vm3  }
0x232: {  	v7 =	vnsel vm3, $0x0, v7  }
0x233: {  	[tilespmem:s18+$0x0] =	vst v7  }
0x234: {  	[tilespmem:$0x8010] =	vst v6  }
0x235: {  	v7 =	vld [tilespmem:$0x800F];
	_ =	sdelay $0x4  }
0x236: {  	v6 =	vadd.s32 v6, v7  }
0x237: {  	[tilespmem:$0x8010] =	vst v6  }
0x238: {  	v7 =	vld [tilespmem:$0x800E];
	_ =	sdelay $0x4  }
0x239: {  	v6 =	vadd.s32 v6, v7  }
0x23a: {  	[tilespmem:$0x8010] =	vst v6  }
0x23b: {  	v7 =	vld [tilespmem:$0x800C];
	_ =	sdelay $0x4  }
0x23c: {  	v6 =	vadd.s32 v6, v7  }
0x23d: {  	[tilespmem:$0x8010] =	vst v6  }
0x23e: {  	v7 =	vld [tilespmem:$0x8008];
	_ =	sdelay $0x4  }
0x23f: {  	v6 =	vadd.s32 v6, v7  }
0x240: {  	(v2sf) =	vpush v6, $0xF;
	_ =	sdelay $0xb  }
.Ltmp35:
0x241: {  	_ = 	snop;
	(pc) =	sbr.rel .LBB2_40-.Ltmp35, $3  }
0x242: {  	_ =	sdelay $0x1  }
0x243: {  	s16 =	spop (v2sf)  }
0x244: {  	[tilespmem:$0x8010] =	vst v6;
	s15 =	sadd.s32 s15, s16  }
.LBB2_43:
0x245: {  	_ =	sfence.sel $0x180000  }
0x246: {  	[bflag:$0x0] =	sbarrier.arrive $0xFFFF  }
0x247: {  	p0 =	sne.s32 s4, $0x0;
	_ =	strace $0x90000047  }
0x248: {  	s0 =	sadd.s32 @!p0 $0x100000, s0;
	[bflag:$0x2] =	sbarrier.arrive $0xFFFF  }
0x249: {  	[sflag:s0] =	ssyncadd.tile.s32 @!p0 $0x1;
	_ =	shalt  }
.Lfunc_end2:
_tile_overlayer_lowered:
.L_overlay_start_2:
0x24a: {  	(tag) =	ssettag $0x2  }
0x24b: {  	s0 =	rddreg [dreg:$0x0];
	s2 =	stileid.u32  }
0x24c: {  	s1 =	rddreg [dreg:$0x1];
	p0 =	sne.s32 s2, $0x0  }
0x24d: {  	s3 =	rddreg [dreg:$0x2];
	[bflag:$0x3] =	sbarrier.arrive $0xFFFF;
	s2 =	simm.s32 @!p0 $0x1C01  }
0x24e: {  	[timem:s3], [sflag:s2] =	dma.local @!p0 [hbm:s0], s1  }
0x24f: {  	s0 =	simm.s32 @!p0 $0x1  }
0x250: {  	_ =	swait.ge @!p0 [sflag:s0], s1  }
0x251: {  	s1 =	ssub.s32 @!p0 $0x0, s1;
	[sflag:s0] =	ssyncset.done @!p0 $0x0  }
0x252: {  	[sflag:s0] =	ssyncadd.s32 @!p0 s1  }
0x253: {  	[bflag:$0x3] =	sbarrier.arrive $0xFFFF  }
0x254: {  	_ =	shalt  }

</sc_bundles>
